<compile_context>
chip_gen: v7x
topology: tpu7x:2x2x1
jax: 0.10.2.dev20260603
libtpu: 0.0.44.dev20260713+nightly
codegen_flags: <defaults>
</compile_context>

<pallas_src>
import jax
import jax.numpy as jnp
from jax import lax
from jax.experimental import pallas as pl
from jax.experimental.pallas import tpu as pltpu
from jax.experimental.pallas import tpu_sc as plsc

_BATCH = 4
_SEQ = 4096
_HID = 4096
_LANES = 16
_HSEQ = _SEQ // 2
_HHID = _HID // 2
_NVREG_H = _HSEQ // _LANES


def _sc_body(ids_hbm, hs_hbm, out_hbm, ids_v, row_v, s0, s1, s2, s3):
    b = lax.axis_index("s")

    @pl.when(b < _BATCH)
    def _():
        c0 = pltpu.make_async_copy(
            ids_hbm.at[b, pl.ds(0, _HSEQ)], ids_v.at[pl.ds(0, _HSEQ)], s0
        )
        c0.start()
        c1 = pltpu.make_async_copy(
            ids_hbm.at[b, pl.ds(_HSEQ, _HSEQ)],
            ids_v.at[pl.ds(_HSEQ, _HSEQ)],
            s1,
        )
        c1.start()
        g0 = pltpu.make_async_copy(
            hs_hbm.at[b, _SEQ - 1, pl.ds(0, _HHID)],
            row_v.at[pl.ds(0, _HHID)],
            s2,
        )
        g0.start()
        g1 = pltpu.make_async_copy(
            hs_hbm.at[b, _SEQ - 1, pl.ds(_HHID, _HHID)],
            row_v.at[pl.ds(_HHID, _HHID)],
            s3,
        )
        g1.start()
        lane = lax.iota(jnp.int32, _LANES)

        def scan_half(base):
            def scan_body(j, carry):
                ca, cb = carry
                off = base + j * (2 * _LANES)
                va = ids_v[pl.ds(off, _LANES)]
                vb = ids_v[pl.ds(off + _LANES, _LANES)]
                ca = jnp.minimum(ca, jnp.where(va == 0, lane + off, _SEQ))
                cb = jnp.minimum(
                    cb, jnp.where(vb == 0, lane + (off + _LANES), _SEQ)
                )
                return ca, cb

            return scan_body

        init = jnp.full((_LANES,), _SEQ, jnp.int32)
        c0.wait()
        carry = lax.fori_loop(
            0, _NVREG_H // 2, scan_half(0), (init, init), unroll=4,
        )
        c1.wait()
        carry = lax.fori_loop(
            0, _NVREG_H // 2, scan_half(_HSEQ), carry, unroll=4,
        )
        mvec = jnp.minimum(carry[0], carry[1])
        for sh in (1, 2, 4, 8):
            mvec = jnp.minimum(
                mvec, mvec.at[lane ^ sh].get(mode="promise_in_bounds")
            )
        p = mvec[0]
        idx = (p + (_SEQ - 1)) % _SEQ
        g0.wait()
        g1.wait()

        @pl.when(idx != _SEQ - 1)
        def _():
            pltpu.sync_copy(hs_hbm.at[b, idx], row_v)

        o0 = pltpu.make_async_copy(
            row_v.at[pl.ds(0, _HHID)], out_hbm.at[b, pl.ds(0, _HHID)], s0
        )
        o0.start()
        o1 = pltpu.make_async_copy(
            row_v.at[pl.ds(_HHID, _HHID)],
            out_hbm.at[b, pl.ds(_HHID, _HHID)],
            s1,
        )
        o1.start()
        o0.wait()
        o1.wait()


def kernel(input_ids, hidden_states):
    mesh = plsc.VectorSubcoreMesh(
        core_axis_name="c", subcore_axis_name="s", num_cores=1,
    )
    k = pl.kernel(
        _sc_body,
        out_type=jax.ShapeDtypeStruct((_BATCH, _HID), jnp.float32),
        mesh=mesh,
        scratch_types=[
            pltpu.VMEM((_SEQ,), jnp.int32),
            pltpu.VMEM((_HID,), jnp.float32),
            pltpu.SemaphoreType.DMA,
            pltpu.SemaphoreType.DMA,
            pltpu.SemaphoreType.DMA,
            pltpu.SemaphoreType.DMA,
        ],
    )
    return k(input_ids.astype(jnp.int32), hidden_states)

# --- scband reference (transcript-rebuilt; emitter-appended) ---
"""Pipeline reference for scband-last-token-pooling-79456894976329 (READ-ONLY COPY).

The authoritative reference and input builder live on the scoring server;
editing this copy changes nothing except your own understanding.
"""

import jax, jax.numpy as jnp
import numpy as np

PAD_TOKEN_ID = 0

def setup_inputs(seed: int = 0) -> dict:
    key = jax.random.key(seed)
    k1, k2 = jax.random.split(key)
    input_ids = jax.random.randint(k1, (4, 4096), 0, 32000, dtype=jnp.int64)
    hidden_states = jax.random.normal(k2, (4, 4096, 4096), dtype=jnp.float32)
    return {"input_ids": input_ids, "hidden_states": hidden_states}

def reference(input_ids, hidden_states):
    batch_size = input_ids.shape[0]
    seq_len = input_ids.shape[-1]
    # pad_token_id is not None: find first pad position, subtract 1, wrap with mod
    is_pad = jnp.equal(input_ids, PAD_TOKEN_ID).astype(jnp.int32)
    sequence_lengths = jnp.argmax(is_pad, axis=-1) - 1
    sequence_lengths = sequence_lengths % seq_len
    pooled_logits = hidden_states[jnp.arange(batch_size), sequence_lengths]
    return pooled_logits

if __name__ == "__main__":
    import jax
    _d = setup_inputs()
    print(jax.jit(kernel)(*tuple(_d.values())))

</pallas_src>

<mosaic_0001>
#map = affine_map<(d0, d1) -> (0, 0)>
#map1 = affine_map<(d0, d1) -> (0, 0, 0)>
module attributes {stable_mosaic.version = 14 : i64} {
  func.func @_sc_body(%arg0: i32, %arg1: i32, %arg2: memref<4x4096xi32, #tpu.memory_space<hbm>>, %arg3: memref<4x4096x4096xf32, #tpu.memory_space<hbm>>, %arg4: memref<4x4096xf32, #tpu.memory_space<hbm>>, %arg5: memref<4096xi32, #tpu.memory_space<vmem>>, %arg6: memref<4096xf32, #tpu.memory_space<vmem>>, %arg7: memref<!tpu.dma_semaphore, #tpu.memory_space<semaphore_mem>>, %arg8: memref<!tpu.dma_semaphore, #tpu.memory_space<semaphore_mem>>, %arg9: memref<!tpu.dma_semaphore, #tpu.memory_space<semaphore_mem>>, %arg10: memref<!tpu.dma_semaphore, #tpu.memory_space<semaphore_mem>>) attributes {dimension_semantics = [#tpu.dimension_semantics<core_parallel>, #tpu.dimension_semantics<subcore_parallel>], iteration_bounds = array<i64: 1, 16>, scalar_prefetch = 0 : i64, scratch_operands = 6 : i64, tpu.core_type = #tpu.core_type<sc_vector_subcore>, window_params = [{transform_indices = #map}, {transform_indices = #map1}, {transform_indices = #map}]} {
    %lt3A = arith.constant 4 : i32
    %lt3A_0 = arith.cmpi slt, %arg1, %lt3A : i32
    %convert_element_type3A = arith.extui %lt3A_0 : i1 to i32
    %cond3A = arith.constant 0 : i32
    %cond3A_1 = arith.cmpi ne, %convert_element_type3A, %cond3A : i32
    scf.if %cond3A_1 {
      %dma_start3A = arith.constant 0 : i32
      %dma_start3A_2 = tpu.memref_slice %arg5[%dma_start3A] : memref<4096xi32, #tpu.memory_space<vmem>> -> memref<2048xi32, #tpu.memory_space<vmem>>
      %dma_start3A_3 = arith.constant 0 : i32
      %dma_start3A_4 = tpu.memref_slice %arg2[%arg1, %dma_start3A_3] : memref<4x4096xi32, #tpu.memory_space<hbm>> -> memref<1x2048xi32, #tpu.memory_space<hbm>>
      %dma_start3A_5 = tpu.memref_squeeze %dma_start3A_4 : memref<1x2048xi32, #tpu.memory_space<hbm>> -> memref<2048xi32, #tpu.memory_space<hbm>>
      %dma_start3A_6 = arith.constant 0 : i32
      %dma_start3A_7 = tpu.memref_slice %arg5[%dma_start3A_6] : memref<4096xi32, #tpu.memory_space<vmem>> -> memref<2048xi32, #tpu.memory_space<vmem>>
      %dma_start3A_8 = arith.constant 0 : i32
      %dma_start3A_9 = tpu.memref_slice %arg2[%arg1, %dma_start3A_8] : memref<4x4096xi32, #tpu.memory_space<hbm>> -> memref<1x2048xi32, #tpu.memory_space<hbm>>
      %dma_start3A_10 = tpu.memref_squeeze %dma_start3A_9 : memref<1x2048xi32, #tpu.memory_space<hbm>> -> memref<2048xi32, #tpu.memory_space<hbm>>
      tpu.enqueue_dma source(%dma_start3A_10 : memref<2048xi32, #tpu.memory_space<hbm>>) target(%dma_start3A_7 : memref<2048xi32, #tpu.memory_space<vmem>>) target_semaphore(%arg7 : memref<!tpu.dma_semaphore, #tpu.memory_space<semaphore_mem>>)
      %dma_start3A_11 = arith.constant 2048 : i32
      %dma_start3A_12 = tpu.memref_slice %arg5[%dma_start3A_11] : memref<4096xi32, #tpu.memory_space<vmem>> -> memref<2048xi32, #tpu.memory_space<vmem>>
      %dma_start3A_13 = arith.constant 2048 : i32
      %dma_start3A_14 = tpu.memref_slice %arg2[%arg1, %dma_start3A_13] : memref<4x4096xi32, #tpu.memory_space<hbm>> -> memref<1x2048xi32, #tpu.memory_space<hbm>>
      %dma_start3A_15 = tpu.memref_squeeze %dma_start3A_14 : memref<1x2048xi32, #tpu.memory_space<hbm>> -> memref<2048xi32, #tpu.memory_space<hbm>>
      %dma_start3A_16 = arith.constant 2048 : i32
      %dma_start3A_17 = tpu.memref_slice %arg5[%dma_start3A_16] : memref<4096xi32, #tpu.memory_space<vmem>> -> memref<2048xi32, #tpu.memory_space<vmem>>
      %dma_start3A_18 = arith.constant 2048 : i32
      %dma_start3A_19 = tpu.memref_slice %arg2[%arg1, %dma_start3A_18] : memref<4x4096xi32, #tpu.memory_space<hbm>> -> memref<1x2048xi32, #tpu.memory_space<hbm>>
      %dma_start3A_20 = tpu.memref_squeeze %dma_start3A_19 : memref<1x2048xi32, #tpu.memory_space<hbm>> -> memref<2048xi32, #tpu.memory_space<hbm>>
      tpu.enqueue_dma source(%dma_start3A_20 : memref<2048xi32, #tpu.memory_space<hbm>>) target(%dma_start3A_17 : memref<2048xi32, #tpu.memory_space<vmem>>) target_semaphore(%arg8 : memref<!tpu.dma_semaphore, #tpu.memory_space<semaphore_mem>>)
      %dma_start3A_21 = arith.constant 4095 : i32
      %dma_start3A_22 = arith.constant 0 : i32
      %dma_start3A_23 = tpu.memref_slice %arg6[%dma_start3A_22] : memref<4096xf32, #tpu.memory_space<vmem>> -> memref<2048xf32, #tpu.memory_space<vmem>>
      %dma_start3A_24 = arith.constant 0 : i32
      %dma_start3A_25 = tpu.memref_slice %arg3[%arg1, %dma_start3A_21, %dma_start3A_24] : memref<4x4096x4096xf32, #tpu.memory_space<hbm>> -> memref<1x1x2048xf32, #tpu.memory_space<hbm>>
      %dma_start3A_26 = tpu.memref_squeeze %dma_start3A_25 : memref<1x1x2048xf32, #tpu.memory_space<hbm>> -> memref<2048xf32, #tpu.memory_space<hbm>>
      %dma_start3A_27 = arith.constant 0 : i32
      %dma_start3A_28 = tpu.memref_slice %arg6[%dma_start3A_27] : memref<4096xf32, #tpu.memory_space<vmem>> -> memref<2048xf32, #tpu.memory_space<vmem>>
      %dma_start3A_29 = arith.constant 0 : i32
      %dma_start3A_30 = tpu.memref_slice %arg3[%arg1, %dma_start3A_21, %dma_start3A_29] : memref<4x4096x4096xf32, #tpu.memory_space<hbm>> -> memref<1x1x2048xf32, #tpu.memory_space<hbm>>
      %dma_start3A_31 = tpu.memref_squeeze %dma_start3A_30 : memref<1x1x2048xf32, #tpu.memory_space<hbm>> -> memref<2048xf32, #tpu.memory_space<hbm>>
      tpu.enqueue_dma source(%dma_start3A_31 : memref<2048xf32, #tpu.memory_space<hbm>>) target(%dma_start3A_28 : memref<2048xf32, #tpu.memory_space<vmem>>) target_semaphore(%arg9 : memref<!tpu.dma_semaphore, #tpu.memory_space<semaphore_mem>>)
      %dma_start3A_32 = arith.constant 4095 : i32
      %dma_start3A_33 = arith.constant 2048 : i32
      %dma_start3A_34 = tpu.memref_slice %arg6[%dma_start3A_33] : memref<4096xf32, #tpu.memory_space<vmem>> -> memref<2048xf32, #tpu.memory_space<vmem>>
      %dma_start3A_35 = arith.constant 2048 : i32
      %dma_start3A_36 = tpu.memref_slice %arg3[%arg1, %dma_start3A_32, %dma_start3A_35] : memref<4x4096x4096xf32, #tpu.memory_space<hbm>> -> memref<1x1x2048xf32, #tpu.memory_space<hbm>>
      %dma_start3A_37 = tpu.memref_squeeze %dma_start3A_36 : memref<1x1x2048xf32, #tpu.memory_space<hbm>> -> memref<2048xf32, #tpu.memory_space<hbm>>
      %dma_start3A_38 = arith.constant 2048 : i32
      %dma_start3A_39 = tpu.memref_slice %arg6[%dma_start3A_38] : memref<4096xf32, #tpu.memory_space<vmem>> -> memref<2048xf32, #tpu.memory_space<vmem>>
      %dma_start3A_40 = arith.constant 2048 : i32
      %dma_start3A_41 = tpu.memref_slice %arg3[%arg1, %dma_start3A_32, %dma_start3A_40] : memref<4x4096x4096xf32, #tpu.memory_space<hbm>> -> memref<1x1x2048xf32, #tpu.memory_space<hbm>>
      %dma_start3A_42 = tpu.memref_squeeze %dma_start3A_41 : memref<1x1x2048xf32, #tpu.memory_space<hbm>> -> memref<2048xf32, #tpu.memory_space<hbm>>
      tpu.enqueue_dma source(%dma_start3A_42 : memref<2048xf32, #tpu.memory_space<hbm>>) target(%dma_start3A_39 : memref<2048xf32, #tpu.memory_space<vmem>>) target_semaphore(%arg10 : memref<!tpu.dma_semaphore, #tpu.memory_space<semaphore_mem>>)
      %iota3A = tpu.iota {dimensions = array<i32: 0>} : vector<16xi32>
      %broadcast_in_dim3A = arith.constant 4096 : i32
      %broadcast_in_dim3A_43 = vector.broadcast %broadcast_in_dim3A : i32 to vector<16xi32>
      %dma_wait3A = arith.constant 0 : i32
      %dma_wait3A_44 = tpu.memref_slice %arg5[%dma_wait3A] : memref<4096xi32, #tpu.memory_space<vmem>> -> memref<2048xi32, #tpu.memory_space<vmem>>
      %dma_wait3A_45 = arith.constant 0 : i32
      %dma_wait3A_46 = tpu.memref_slice %arg2[%arg1, %dma_wait3A_45] : memref<4x4096xi32, #tpu.memory_space<hbm>> -> memref<1x2048xi32, #tpu.memory_space<hbm>>
      %dma_wait3A_47 = tpu.memref_squeeze %dma_wait3A_46 : memref<1x2048xi32, #tpu.memory_space<hbm>> -> memref<2048xi32, #tpu.memory_space<hbm>>
      %dma_wait3A_48 = arith.constant 0 : i32
      %dma_wait3A_49 = tpu.memref_slice %arg5[%dma_wait3A_48] : memref<4096xi32, #tpu.memory_space<vmem>> -> memref<2048xi32, #tpu.memory_space<vmem>>
      %dma_wait3A_50 = arith.constant 0 : i32
      %dma_wait3A_51 = tpu.memref_slice %arg2[%arg1, %dma_wait3A_50] : memref<4x4096xi32, #tpu.memory_space<hbm>> -> memref<1x2048xi32, #tpu.memory_space<hbm>>
      %dma_wait3A_52 = tpu.memref_squeeze %dma_wait3A_51 : memref<1x2048xi32, #tpu.memory_space<hbm>> -> memref<2048xi32, #tpu.memory_space<hbm>>
      tpu.wait_dma2 semaphore(%arg7 : memref<!tpu.dma_semaphore, #tpu.memory_space<semaphore_mem>>) src(%dma_wait3A_52 : memref<2048xi32, #tpu.memory_space<hbm>>) dst(%dma_wait3A_49 : memref<2048xi32, #tpu.memory_space<vmem>>)
      %scan3A = arith.constant 0 : i32
      %scan3A_53 = arith.constant 64 : i32
      %scan3A_54 = arith.addi %scan3A, %scan3A_53 : i32
      %scan3A_55 = arith.constant 4 : i32
      %scan3A_56:2 = scf.for %scan3A_206 = %scan3A to %scan3A_54 step %scan3A_55 iter_args(%scan3A_207 = %broadcast_in_dim3A_43, %scan3A_208 = %broadcast_in_dim3A_43) -> (vector<16xi32>, vector<16xi32>)  : i32 {
        %mul3A = arith.constant 32 : i32
        %mul3A_209 = arith.muli %scan3A_206, %mul3A : i32
        %add3A_210 = arith.constant 0 : i32
        %add3A_211 = arith.addi %add3A_210, %mul3A_209 : i32
        %get3A = arith.index_cast %add3A_211 : i32 to index
        %get3A_212 = tpu.vector_load %arg5[%get3A] {strides = array<i32>} : memref<4096xi32, #tpu.memory_space<vmem>>, vector<16xi32>,
        %get3A_213 = vector.shape_cast %get3A_212 : vector<16xi32> to vector<16xi32>
        %add3A_214 = arith.constant 16 : i32
        %add3A_215 = arith.addi %add3A_211, %add3A_214 : i32
        %get3A_216 = arith.index_cast %add3A_215 : i32 to index
        %get3A_217 = tpu.vector_load %arg5[%get3A_216] {strides = array<i32>} : memref<4096xi32, #tpu.memory_space<vmem>>, vector<16xi32>,
        %get3A_218 = vector.shape_cast %get3A_217 : vector<16xi32> to vector<16xi32>
        %eq3A_219 = arith.constant 0 : i32
        %eq3A_220 = vector.broadcast %eq3A_219 : i32 to vector<16xi32>
        %eq3A_221 = arith.cmpi eq, %get3A_213, %eq3A_220 : vector<16xi32>
        %add3A_222 = vector.broadcast %add3A_211 : i32 to vector<16xi32>
        %add3A_223 = arith.addi %iota3A, %add3A_222 : vector<16xi32>
        %jit3A_224 = arith.constant 4096 : i32
        %broadcast_in_dim3A_225 = vector.broadcast %jit3A_224 : i32 to vector<16xi32>
        %select_n3A_226 = arith.select %eq3A_221, %add3A_223, %broadcast_in_dim3A_225 : vector<16xi1>, vector<16xi32>
        %min3A_227 = arith.minsi %scan3A_207, %select_n3A_226 : vector<16xi32>
        %eq3A_228 = arith.constant 0 : i32
        %eq3A_229 = vector.broadcast %eq3A_228 : i32 to vector<16xi32>
        %eq3A_230 = arith.cmpi eq, %get3A_218, %eq3A_229 : vector<16xi32>
        %add3A_231 = arith.constant 16 : i32
        %add3A_232 = arith.addi %add3A_211, %add3A_231 : i32
        %add3A_233 = vector.broadcast %add3A_232 : i32 to vector<16xi32>
        %add3A_234 = arith.addi %iota3A, %add3A_233 : vector<16xi32>
        %jit3A_235 = arith.constant 4096 : i32
        %broadcast_in_dim3A_236 = vector.broadcast %jit3A_235 : i32 to vector<16xi32>
        %select_n3A_237 = arith.select %eq3A_230, %add3A_234, %broadcast_in_dim3A_236 : vector<16xi1>, vector<16xi32>
        %min3A_238 = arith.minsi %scan3A_208, %select_n3A_237 : vector<16xi32>
        %scan3A_239 = arith.constant 1 : i32
        %scan3A_240 = arith.addi %scan3A_206, %scan3A_239 : i32
        %mul3A_241 = arith.constant 32 : i32
        %mul3A_242 = arith.muli %scan3A_240, %mul3A_241 : i32
        %add3A_243 = arith.constant 0 : i32
        %add3A_244 = arith.addi %add3A_243, %mul3A_242 : i32
        %get3A_245 = arith.index_cast %add3A_244 : i32 to index
        %get3A_246 = tpu.vector_load %arg5[%get3A_245] {strides = array<i32>} : memref<4096xi32, #tpu.memory_space<vmem>>, vector<16xi32>,
        %get3A_247 = vector.shape_cast %get3A_246 : vector<16xi32> to vector<16xi32>
        %add3A_248 = arith.constant 16 : i32
        %add3A_249 = arith.addi %add3A_244, %add3A_248 : i32
        %get3A_250 = arith.index_cast %add3A_249 : i32 to index
        %get3A_251 = tpu.vector_load %arg5[%get3A_250] {strides = array<i32>} : memref<4096xi32, #tpu.memory_space<vmem>>, vector<16xi32>,
        %get3A_252 = vector.shape_cast %get3A_251 : vector<16xi32> to vector<16xi32>
        %eq3A_253 = arith.constant 0 : i32
        %eq3A_254 = vector.broadcast %eq3A_253 : i32 to vector<16xi32>
        %eq3A_255 = arith.cmpi eq, %get3A_247, %eq3A_254 : vector<16xi32>
        %add3A_256 = vector.broadcast %add3A_244 : i32 to vector<16xi32>
        %add3A_257 = arith.addi %iota3A, %add3A_256 : vector<16xi32>
        %jit3A_258 = arith.constant 4096 : i32
        %broadcast_in_dim3A_259 = vector.broadcast %jit3A_258 : i32 to vector<16xi32>
        %select_n3A_260 = arith.select %eq3A_255, %add3A_257, %broadcast_in_dim3A_259 : vector<16xi1>, vector<16xi32>
        %min3A_261 = arith.minsi %min3A_227, %select_n3A_260 : vector<16xi32>
        %eq3A_262 = arith.constant 0 : i32
        %eq3A_263 = vector.broadcast %eq3A_262 : i32 to vector<16xi32>
        %eq3A_264 = arith.cmpi eq, %get3A_252, %eq3A_263 : vector<16xi32>
        %add3A_265 = arith.constant 16 : i32
        %add3A_266 = arith.addi %add3A_244, %add3A_265 : i32
        %add3A_267 = vector.broadcast %add3A_266 : i32 to vector<16xi32>
        %add3A_268 = arith.addi %iota3A, %add3A_267 : vector<16xi32>
        %jit3A_269 = arith.constant 4096 : i32
        %broadcast_in_dim3A_270 = vector.broadcast %jit3A_269 : i32 to vector<16xi32>
        %select_n3A_271 = arith.select %eq3A_264, %add3A_268, %broadcast_in_dim3A_270 : vector<16xi1>, vector<16xi32>
        %min3A_272 = arith.minsi %min3A_238, %select_n3A_271 : vector<16xi32>
        %scan3A_273 = arith.constant 2 : i32
        %scan3A_274 = arith.addi %scan3A_206, %scan3A_273 : i32
        %mul3A_275 = arith.constant 32 : i32
        %mul3A_276 = arith.muli %scan3A_274, %mul3A_275 : i32
        %add3A_277 = arith.constant 0 : i32
        %add3A_278 = arith.addi %add3A_277, %mul3A_276 : i32
        %get3A_279 = arith.index_cast %add3A_278 : i32 to index
        %get3A_280 = tpu.vector_load %arg5[%get3A_279] {strides = array<i32>} : memref<4096xi32, #tpu.memory_space<vmem>>, vector<16xi32>,
        %get3A_281 = vector.shape_cast %get3A_280 : vector<16xi32> to vector<16xi32>
        %add3A_282 = arith.constant 16 : i32
        %add3A_283 = arith.addi %add3A_278, %add3A_282 : i32
        %get3A_284 = arith.index_cast %add3A_283 : i32 to index
        %get3A_285 = tpu.vector_load %arg5[%get3A_284] {strides = array<i32>} : memref<4096xi32, #tpu.memory_space<vmem>>, vector<16xi32>,
        %get3A_286 = vector.shape_cast %get3A_285 : vector<16xi32> to vector<16xi32>
        %eq3A_287 = arith.constant 0 : i32
        %eq3A_288 = vector.broadcast %eq3A_287 : i32 to vector<16xi32>
        %eq3A_289 = arith.cmpi eq, %get3A_281, %eq3A_288 : vector<16xi32>
        %add3A_290 = vector.broadcast %add3A_278 : i32 to vector<16xi32>
        %add3A_291 = arith.addi %iota3A, %add3A_290 : vector<16xi32>
        %jit3A_292 = arith.constant 4096 : i32
        %broadcast_in_dim3A_293 = vector.broadcast %jit3A_292 : i32 to vector<16xi32>
        %select_n3A_294 = arith.select %eq3A_289, %add3A_291, %broadcast_in_dim3A_293 : vector<16xi1>, vector<16xi32>
        %min3A_295 = arith.minsi %min3A_261, %select_n3A_294 : vector<16xi32>
        %eq3A_296 = arith.constant 0 : i32
        %eq3A_297 = vector.broadcast %eq3A_296 : i32 to vector<16xi32>
        %eq3A_298 = arith.cmpi eq, %get3A_286, %eq3A_297 : vector<16xi32>
        %add3A_299 = arith.constant 16 : i32
        %add3A_300 = arith.addi %add3A_278, %add3A_299 : i32
        %add3A_301 = vector.broadcast %add3A_300 : i32 to vector<16xi32>
        %add3A_302 = arith.addi %iota3A, %add3A_301 : vector<16xi32>
        %jit3A_303 = arith.constant 4096 : i32
        %broadcast_in_dim3A_304 = vector.broadcast %jit3A_303 : i32 to vector<16xi32>
        %select_n3A_305 = arith.select %eq3A_298, %add3A_302, %broadcast_in_dim3A_304 : vector<16xi1>, vector<16xi32>
        %min3A_306 = arith.minsi %min3A_272, %select_n3A_305 : vector<16xi32>
        %scan3A_307 = arith.constant 3 : i32
        %scan3A_308 = arith.addi %scan3A_206, %scan3A_307 : i32
        %mul3A_309 = arith.constant 32 : i32
        %mul3A_310 = arith.muli %scan3A_308, %mul3A_309 : i32
        %add3A_311 = arith.constant 0 : i32
        %add3A_312 = arith.addi %add3A_311, %mul3A_310 : i32
        %get3A_313 = arith.index_cast %add3A_312 : i32 to index
        %get3A_314 = tpu.vector_load %arg5[%get3A_313] {strides = array<i32>} : memref<4096xi32, #tpu.memory_space<vmem>>, vector<16xi32>,
        %get3A_315 = vector.shape_cast %get3A_314 : vector<16xi32> to vector<16xi32>
        %add3A_316 = arith.constant 16 : i32
        %add3A_317 = arith.addi %add3A_312, %add3A_316 : i32
        %get3A_318 = arith.index_cast %add3A_317 : i32 to index
        %get3A_319 = tpu.vector_load %arg5[%get3A_318] {strides = array<i32>} : memref<4096xi32, #tpu.memory_space<vmem>>, vector<16xi32>,
        %get3A_320 = vector.shape_cast %get3A_319 : vector<16xi32> to vector<16xi32>
        %eq3A_321 = arith.constant 0 : i32
        %eq3A_322 = vector.broadcast %eq3A_321 : i32 to vector<16xi32>
        %eq3A_323 = arith.cmpi eq, %get3A_315, %eq3A_322 : vector<16xi32>
        %add3A_324 = vector.broadcast %add3A_312 : i32 to vector<16xi32>
        %add3A_325 = arith.addi %iota3A, %add3A_324 : vector<16xi32>
        %jit3A_326 = arith.constant 4096 : i32
        %broadcast_in_dim3A_327 = vector.broadcast %jit3A_326 : i32 to vector<16xi32>
        %select_n3A_328 = arith.select %eq3A_323, %add3A_325, %broadcast_in_dim3A_327 : vector<16xi1>, vector<16xi32>
        %min3A_329 = arith.minsi %min3A_295, %select_n3A_328 : vector<16xi32>
        %eq3A_330 = arith.constant 0 : i32
        %eq3A_331 = vector.broadcast %eq3A_330 : i32 to vector<16xi32>
        %eq3A_332 = arith.cmpi eq, %get3A_320, %eq3A_331 : vector<16xi32>
        %add3A_333 = arith.constant 16 : i32
        %add3A_334 = arith.addi %add3A_312, %add3A_333 : i32
        %add3A_335 = vector.broadcast %add3A_334 : i32 to vector<16xi32>
        %add3A_336 = arith.addi %iota3A, %add3A_335 : vector<16xi32>
        %jit3A_337 = arith.constant 4096 : i32
        %broadcast_in_dim3A_338 = vector.broadcast %jit3A_337 : i32 to vector<16xi32>
        %select_n3A_339 = arith.select %eq3A_332, %add3A_336, %broadcast_in_dim3A_338 : vector<16xi1>, vector<16xi32>
        %min3A_340 = arith.minsi %min3A_306, %select_n3A_339 : vector<16xi32>
        scf.yield %min3A_329, %min3A_340 : vector<16xi32>, vector<16xi32>
      }
      %scan3A_57 = arith.constant 64 : i32
      %dma_wait3A_58 = arith.constant 2048 : i32
      %dma_wait3A_59 = tpu.memref_slice %arg5[%dma_wait3A_58] : memref<4096xi32, #tpu.memory_space<vmem>> -> memref<2048xi32, #tpu.memory_space<vmem>>
      %dma_wait3A_60 = arith.constant 2048 : i32
      %dma_wait3A_61 = tpu.memref_slice %arg2[%arg1, %dma_wait3A_60] : memref<4x4096xi32, #tpu.memory_space<hbm>> -> memref<1x2048xi32, #tpu.memory_space<hbm>>
      %dma_wait3A_62 = tpu.memref_squeeze %dma_wait3A_61 : memref<1x2048xi32, #tpu.memory_space<hbm>> -> memref<2048xi32, #tpu.memory_space<hbm>>
      %dma_wait3A_63 = arith.constant 2048 : i32
      %dma_wait3A_64 = tpu.memref_slice %arg5[%dma_wait3A_63] : memref<4096xi32, #tpu.memory_space<vmem>> -> memref<2048xi32, #tpu.memory_space<vmem>>
      %dma_wait3A_65 = arith.constant 2048 : i32
      %dma_wait3A_66 = tpu.memref_slice %arg2[%arg1, %dma_wait3A_65] : memref<4x4096xi32, #tpu.memory_space<hbm>> -> memref<1x2048xi32, #tpu.memory_space<hbm>>
      %dma_wait3A_67 = tpu.memref_squeeze %dma_wait3A_66 : memref<1x2048xi32, #tpu.memory_space<hbm>> -> memref<2048xi32, #tpu.memory_space<hbm>>
      tpu.wait_dma2 semaphore(%arg8 : memref<!tpu.dma_semaphore, #tpu.memory_space<semaphore_mem>>) src(%dma_wait3A_67 : memref<2048xi32, #tpu.memory_space<hbm>>) dst(%dma_wait3A_64 : memref<2048xi32, #tpu.memory_space<vmem>>)
      %scan3A_68 = arith.constant 0 : i32
      %scan3A_69 = arith.constant 64 : i32
      %scan3A_70 = arith.addi %scan3A_68, %scan3A_69 : i32
      %scan3A_71 = arith.constant 4 : i32
      %scan3A_72:2 = scf.for %scan3A_206 = %scan3A_68 to %scan3A_70 step %scan3A_71 iter_args(%scan3A_207 = %scan3A_56#0, %scan3A_208 = %scan3A_56#1) -> (vector<16xi32>, vector<16xi32>)  : i32 {
        %mul3A = arith.constant 32 : i32
        %mul3A_209 = arith.muli %scan3A_206, %mul3A : i32
        %add3A_210 = arith.constant 2048 : i32
        %add3A_211 = arith.addi %add3A_210, %mul3A_209 : i32
        %get3A = arith.index_cast %add3A_211 : i32 to index
        %get3A_212 = tpu.vector_load %arg5[%get3A] {strides = array<i32>} : memref<4096xi32, #tpu.memory_space<vmem>>, vector<16xi32>,
        %get3A_213 = vector.shape_cast %get3A_212 : vector<16xi32> to vector<16xi32>
        %add3A_214 = arith.constant 16 : i32
        %add3A_215 = arith.addi %add3A_211, %add3A_214 : i32
        %get3A_216 = arith.index_cast %add3A_215 : i32 to index
        %get3A_217 = tpu.vector_load %arg5[%get3A_216] {strides = array<i32>} : memref<4096xi32, #tpu.memory_space<vmem>>, vector<16xi32>,
        %get3A_218 = vector.shape_cast %get3A_217 : vector<16xi32> to vector<16xi32>
        %eq3A_219 = arith.constant 0 : i32
        %eq3A_220 = vector.broadcast %eq3A_219 : i32 to vector<16xi32>
        %eq3A_221 = arith.cmpi eq, %get3A_213, %eq3A_220 : vector<16xi32>
        %add3A_222 = vector.broadcast %add3A_211 : i32 to vector<16xi32>
        %add3A_223 = arith.addi %iota3A, %add3A_222 : vector<16xi32>
        %jit3A_224 = arith.constant 4096 : i32
        %broadcast_in_dim3A_225 = vector.broadcast %jit3A_224 : i32 to vector<16xi32>
        %select_n3A_226 = arith.select %eq3A_221, %add3A_223, %broadcast_in_dim3A_225 : vector<16xi1>, vector<16xi32>
        %min3A_227 = arith.minsi %scan3A_207, %select_n3A_226 : vector<16xi32>
        %eq3A_228 = arith.constant 0 : i32
        %eq3A_229 = vector.broadcast %eq3A_228 : i32 to vector<16xi32>
        %eq3A_230 = arith.cmpi eq, %get3A_218, %eq3A_229 : vector<16xi32>
        %add3A_231 = arith.constant 16 : i32
        %add3A_232 = arith.addi %add3A_211, %add3A_231 : i32
        %add3A_233 = vector.broadcast %add3A_232 : i32 to vector<16xi32>
        %add3A_234 = arith.addi %iota3A, %add3A_233 : vector<16xi32>
        %jit3A_235 = arith.constant 4096 : i32
        %broadcast_in_dim3A_236 = vector.broadcast %jit3A_235 : i32 to vector<16xi32>
        %select_n3A_237 = arith.select %eq3A_230, %add3A_234, %broadcast_in_dim3A_236 : vector<16xi1>, vector<16xi32>
        %min3A_238 = arith.minsi %scan3A_208, %select_n3A_237 : vector<16xi32>
        %scan3A_239 = arith.constant 1 : i32
        %scan3A_240 = arith.addi %scan3A_206, %scan3A_239 : i32
        %mul3A_241 = arith.constant 32 : i32
        %mul3A_242 = arith.muli %scan3A_240, %mul3A_241 : i32
        %add3A_243 = arith.constant 2048 : i32
        %add3A_244 = arith.addi %add3A_243, %mul3A_242 : i32
        %get3A_245 = arith.index_cast %add3A_244 : i32 to index
        %get3A_246 = tpu.vector_load %arg5[%get3A_245] {strides = array<i32>} : memref<4096xi32, #tpu.memory_space<vmem>>, vector<16xi32>,
        %get3A_247 = vector.shape_cast %get3A_246 : vector<16xi32> to vector<16xi32>
        %add3A_248 = arith.constant 16 : i32
        %add3A_249 = arith.addi %add3A_244, %add3A_248 : i32
        %get3A_250 = arith.index_cast %add3A_249 : i32 to index
        %get3A_251 = tpu.vector_load %arg5[%get3A_250] {strides = array<i32>} : memref<4096xi32, #tpu.memory_space<vmem>>, vector<16xi32>,
        %get3A_252 = vector.shape_cast %get3A_251 : vector<16xi32> to vector<16xi32>
        %eq3A_253 = arith.constant 0 : i32
        %eq3A_254 = vector.broadcast %eq3A_253 : i32 to vector<16xi32>
        %eq3A_255 = arith.cmpi eq, %get3A_247, %eq3A_254 : vector<16xi32>
        %add3A_256 = vector.broadcast %add3A_244 : i32 to vector<16xi32>
        %add3A_257 = arith.addi %iota3A, %add3A_256 : vector<16xi32>
        %jit3A_258 = arith.constant 4096 : i32
        %broadcast_in_dim3A_259 = vector.broadcast %jit3A_258 : i32 to vector<16xi32>
        %select_n3A_260 = arith.select %eq3A_255, %add3A_257, %broadcast_in_dim3A_259 : vector<16xi1>, vector<16xi32>
        %min3A_261 = arith.minsi %min3A_227, %select_n3A_260 : vector<16xi32>
        %eq3A_262 = arith.constant 0 : i32
        %eq3A_263 = vector.broadcast %eq3A_262 : i32 to vector<16xi32>
        %eq3A_264 = arith.cmpi eq, %get3A_252, %eq3A_263 : vector<16xi32>
        %add3A_265 = arith.constant 16 : i32
        %add3A_266 = arith.addi %add3A_244, %add3A_265 : i32
        %add3A_267 = vector.broadcast %add3A_266 : i32 to vector<16xi32>
        %add3A_268 = arith.addi %iota3A, %add3A_267 : vector<16xi32>
        %jit3A_269 = arith.constant 4096 : i32
        %broadcast_in_dim3A_270 = vector.broadcast %jit3A_269 : i32 to vector<16xi32>
        %select_n3A_271 = arith.select %eq3A_264, %add3A_268, %broadcast_in_dim3A_270 : vector<16xi1>, vector<16xi32>
        %min3A_272 = arith.minsi %min3A_238, %select_n3A_271 : vector<16xi32>
        %scan3A_273 = arith.constant 2 : i32
        %scan3A_274 = arith.addi %scan3A_206, %scan3A_273 : i32
        %mul3A_275 = arith.constant 32 : i32
        %mul3A_276 = arith.muli %scan3A_274, %mul3A_275 : i32
        %add3A_277 = arith.constant 2048 : i32
        %add3A_278 = arith.addi %add3A_277, %mul3A_276 : i32
        %get3A_279 = arith.index_cast %add3A_278 : i32 to index
        %get3A_280 = tpu.vector_load %arg5[%get3A_279] {strides = array<i32>} : memref<4096xi32, #tpu.memory_space<vmem>>, vector<16xi32>,
        %get3A_281 = vector.shape_cast %get3A_280 : vector<16xi32> to vector<16xi32>
        %add3A_282 = arith.constant 16 : i32
        %add3A_283 = arith.addi %add3A_278, %add3A_282 : i32
        %get3A_284 = arith.index_cast %add3A_283 : i32 to index
        %get3A_285 = tpu.vector_load %arg5[%get3A_284] {strides = array<i32>} : memref<4096xi32, #tpu.memory_space<vmem>>, vector<16xi32>,
        %get3A_286 = vector.shape_cast %get3A_285 : vector<16xi32> to vector<16xi32>
        %eq3A_287 = arith.constant 0 : i32
        %eq3A_288 = vector.broadcast %eq3A_287 : i32 to vector<16xi32>
        %eq3A_289 = arith.cmpi eq, %get3A_281, %eq3A_288 : vector<16xi32>
        %add3A_290 = vector.broadcast %add3A_278 : i32 to vector<16xi32>
        %add3A_291 = arith.addi %iota3A, %add3A_290 : vector<16xi32>
        %jit3A_292 = arith.constant 4096 : i32
        %broadcast_in_dim3A_293 = vector.broadcast %jit3A_292 : i32 to vector<16xi32>
        %select_n3A_294 = arith.select %eq3A_289, %add3A_291, %broadcast_in_dim3A_293 : vector<16xi1>, vector<16xi32>
        %min3A_295 = arith.minsi %min3A_261, %select_n3A_294 : vector<16xi32>
        %eq3A_296 = arith.constant 0 : i32
        %eq3A_297 = vector.broadcast %eq3A_296 : i32 to vector<16xi32>
        %eq3A_298 = arith.cmpi eq, %get3A_286, %eq3A_297 : vector<16xi32>
        %add3A_299 = arith.constant 16 : i32
        %add3A_300 = arith.addi %add3A_278, %add3A_299 : i32
        %add3A_301 = vector.broadcast %add3A_300 : i32 to vector<16xi32>
        %add3A_302 = arith.addi %iota3A, %add3A_301 : vector<16xi32>
        %jit3A_303 = arith.constant 4096 : i32
        %broadcast_in_dim3A_304 = vector.broadcast %jit3A_303 : i32 to vector<16xi32>
        %select_n3A_305 = arith.select %eq3A_298, %add3A_302, %broadcast_in_dim3A_304 : vector<16xi1>, vector<16xi32>
        %min3A_306 = arith.minsi %min3A_272, %select_n3A_305 : vector<16xi32>
        %scan3A_307 = arith.constant 3 : i32
        %scan3A_308 = arith.addi %scan3A_206, %scan3A_307 : i32
        %mul3A_309 = arith.constant 32 : i32
        %mul3A_310 = arith.muli %scan3A_308, %mul3A_309 : i32
        %add3A_311 = arith.constant 2048 : i32
        %add3A_312 = arith.addi %add3A_311, %mul3A_310 : i32
        %get3A_313 = arith.index_cast %add3A_312 : i32 to index
        %get3A_314 = tpu.vector_load %arg5[%get3A_313] {strides = array<i32>} : memref<4096xi32, #tpu.memory_space<vmem>>, vector<16xi32>,
        %get3A_315 = vector.shape_cast %get3A_314 : vector<16xi32> to vector<16xi32>
        %add3A_316 = arith.constant 16 : i32
        %add3A_317 = arith.addi %add3A_312, %add3A_316 : i32
        %get3A_318 = arith.index_cast %add3A_317 : i32 to index
        %get3A_319 = tpu.vector_load %arg5[%get3A_318] {strides = array<i32>} : memref<4096xi32, #tpu.memory_space<vmem>>, vector<16xi32>,
        %get3A_320 = vector.shape_cast %get3A_319 : vector<16xi32> to vector<16xi32>
        %eq3A_321 = arith.constant 0 : i32
        %eq3A_322 = vector.broadcast %eq3A_321 : i32 to vector<16xi32>
        %eq3A_323 = arith.cmpi eq, %get3A_315, %eq3A_322 : vector<16xi32>
        %add3A_324 = vector.broadcast %add3A_312 : i32 to vector<16xi32>
        %add3A_325 = arith.addi %iota3A, %add3A_324 : vector<16xi32>
        %jit3A_326 = arith.constant 4096 : i32
        %broadcast_in_dim3A_327 = vector.broadcast %jit3A_326 : i32 to vector<16xi32>
        %select_n3A_328 = arith.select %eq3A_323, %add3A_325, %broadcast_in_dim3A_327 : vector<16xi1>, vector<16xi32>
        %min3A_329 = arith.minsi %min3A_295, %select_n3A_328 : vector<16xi32>
        %eq3A_330 = arith.constant 0 : i32
        %eq3A_331 = vector.broadcast %eq3A_330 : i32 to vector<16xi32>
        %eq3A_332 = arith.cmpi eq, %get3A_320, %eq3A_331 : vector<16xi32>
        %add3A_333 = arith.constant 16 : i32
        %add3A_334 = arith.addi %add3A_312, %add3A_333 : i32
        %add3A_335 = vector.broadcast %add3A_334 : i32 to vector<16xi32>
        %add3A_336 = arith.addi %iota3A, %add3A_335 : vector<16xi32>
        %jit3A_337 = arith.constant 4096 : i32
        %broadcast_in_dim3A_338 = vector.broadcast %jit3A_337 : i32 to vector<16xi32>
        %select_n3A_339 = arith.select %eq3A_332, %add3A_336, %broadcast_in_dim3A_338 : vector<16xi1>, vector<16xi32>
        %min3A_340 = arith.minsi %min3A_306, %select_n3A_339 : vector<16xi32>
        scf.yield %min3A_329, %min3A_340 : vector<16xi32>, vector<16xi32>
      }
      %scan3A_73 = arith.constant 64 : i32
      %min3A = arith.minsi %scan3A_72#0, %scan3A_72#1 : vector<16xi32>
      %xor3A = arith.constant 1 : i32
      %xor3A_74 = vector.broadcast %xor3A : i32 to vector<16xi32>
      %xor3A_75 = arith.xori %iota3A, %xor3A_74 : vector<16xi32>
      %lt3A_76 = arith.constant 0 : i32
      %lt3A_77 = vector.broadcast %lt3A_76 : i32 to vector<16xi32>
      %lt3A_78 = arith.cmpi slt, %xor3A_75, %lt3A_77 : vector<16xi32>
      %add3A = arith.constant 16 : i32
      %add3A_79 = vector.broadcast %add3A : i32 to vector<16xi32>
      %add3A_80 = arith.addi %xor3A_75, %add3A_79 : vector<16xi32>
      %select_n3A = arith.select %lt3A_78, %add3A_80, %xor3A_75 : vector<16xi1>, vector<16xi32>
      %broadcast_in_dim3A_81 = vector.shape_cast %select_n3A : vector<16xi32> to vector<16x1xi32>
      %gather3A = vector.shape_cast %broadcast_in_dim3A_81 : vector<16x1xi32> to vector<16xi32>
      %gather3A_82 = tpu.dynamic_gather %min3A[%gather3A] in [0] : vector<16xi32>, vector<16xi32> -> vector<16xi32>
      %min3A_83 = arith.minsi %min3A, %gather3A_82 : vector<16xi32>
      %xor3A_84 = arith.constant 2 : i32
      %xor3A_85 = vector.broadcast %xor3A_84 : i32 to vector<16xi32>
      %xor3A_86 = arith.xori %iota3A, %xor3A_85 : vector<16xi32>
      %lt3A_87 = arith.constant 0 : i32
      %lt3A_88 = vector.broadcast %lt3A_87 : i32 to vector<16xi32>
      %lt3A_89 = arith.cmpi slt, %xor3A_86, %lt3A_88 : vector<16xi32>
      %add3A_90 = arith.constant 16 : i32
      %add3A_91 = vector.broadcast %add3A_90 : i32 to vector<16xi32>
      %add3A_92 = arith.addi %xor3A_86, %add3A_91 : vector<16xi32>
      %select_n3A_93 = arith.select %lt3A_89, %add3A_92, %xor3A_86 : vector<16xi1>, vector<16xi32>
      %broadcast_in_dim3A_94 = vector.shape_cast %select_n3A_93 : vector<16xi32> to vector<16x1xi32>
      %gather3A_95 = vector.shape_cast %broadcast_in_dim3A_94 : vector<16x1xi32> to vector<16xi32>
      %gather3A_96 = tpu.dynamic_gather %min3A_83[%gather3A_95] in [0] : vector<16xi32>, vector<16xi32> -> vector<16xi32>
      %min3A_97 = arith.minsi %min3A_83, %gather3A_96 : vector<16xi32>
      %xor3A_98 = arith.constant 4 : i32
      %xor3A_99 = vector.broadcast %xor3A_98 : i32 to vector<16xi32>
      %xor3A_100 = arith.xori %iota3A, %xor3A_99 : vector<16xi32>
      %lt3A_101 = arith.constant 0 : i32
      %lt3A_102 = vector.broadcast %lt3A_101 : i32 to vector<16xi32>
      %lt3A_103 = arith.cmpi slt, %xor3A_100, %lt3A_102 : vector<16xi32>
      %add3A_104 = arith.constant 16 : i32
      %add3A_105 = vector.broadcast %add3A_104 : i32 to vector<16xi32>
      %add3A_106 = arith.addi %xor3A_100, %add3A_105 : vector<16xi32>
      %select_n3A_107 = arith.select %lt3A_103, %add3A_106, %xor3A_100 : vector<16xi1>, vector<16xi32>
      %broadcast_in_dim3A_108 = vector.shape_cast %select_n3A_107 : vector<16xi32> to vector<16x1xi32>
      %gather3A_109 = vector.shape_cast %broadcast_in_dim3A_108 : vector<16x1xi32> to vector<16xi32>
      %gather3A_110 = tpu.dynamic_gather %min3A_97[%gather3A_109] in [0] : vector<16xi32>, vector<16xi32> -> vector<16xi32>
      %min3A_111 = arith.minsi %min3A_97, %gather3A_110 : vector<16xi32>
      %xor3A_112 = arith.constant 8 : i32
      %xor3A_113 = vector.broadcast %xor3A_112 : i32 to vector<16xi32>
      %xor3A_114 = arith.xori %iota3A, %xor3A_113 : vector<16xi32>
      %lt3A_115 = arith.constant 0 : i32
      %lt3A_116 = vector.broadcast %lt3A_115 : i32 to vector<16xi32>
      %lt3A_117 = arith.cmpi slt, %xor3A_114, %lt3A_116 : vector<16xi32>
      %add3A_118 = arith.constant 16 : i32
      %add3A_119 = vector.broadcast %add3A_118 : i32 to vector<16xi32>
      %add3A_120 = arith.addi %xor3A_114, %add3A_119 : vector<16xi32>
      %select_n3A_121 = arith.select %lt3A_117, %add3A_120, %xor3A_114 : vector<16xi1>, vector<16xi32>
      %broadcast_in_dim3A_122 = vector.shape_cast %select_n3A_121 : vector<16xi32> to vector<16x1xi32>
      %gather3A_123 = vector.shape_cast %broadcast_in_dim3A_122 : vector<16x1xi32> to vector<16xi32>
      %gather3A_124 = tpu.dynamic_gather %min3A_111[%gather3A_123] in [0] : vector<16xi32>, vector<16xi32> -> vector<16xi32>
      %min3A_125 = arith.minsi %min3A_111, %gather3A_124 : vector<16xi32>
      %slice3A = vector.extract_strided_slice %min3A_125 {offsets = [0], sizes = [1], strides = [1]} : vector<16xi32> to vector<1xi32>
      %squeeze3A = vector.extract %slice3A[0] : i32 from vector<1xi32>
      %add3A_126 = arith.constant 4095 : i32
      %add3A_127 = arith.addi %squeeze3A, %add3A_126 : i32
      %jit3A = arith.constant 4096 : i32
      %eq3A = arith.constant 0 : i32
      %eq3A_128 = arith.cmpi eq, %jit3A, %eq3A : i32
      %jit3A_129 = arith.constant 1 : i32
      %select_n3A_130 = arith.select %eq3A_128, %jit3A_129, %jit3A : i32
      %rem3A = arith.remsi %add3A_127, %select_n3A_130 : i32
      %ne3A = arith.constant 0 : i32
      %ne3A_131 = arith.cmpi ne, %rem3A, %ne3A : i32
      %lt3A_132 = arith.constant 0 : i32
      %lt3A_133 = arith.cmpi slt, %rem3A, %lt3A_132 : i32
      %lt3A_134 = arith.constant 0 : i32
      %lt3A_135 = arith.cmpi slt, %select_n3A_130, %lt3A_134 : i32
      %ne3A_136 = arith.xori %lt3A_133, %lt3A_135 : i1
      %and3A = arith.andi %ne3A_136, %ne3A_131 : i1
      %add3A_137 = arith.addi %rem3A, %select_n3A_130 : i32
      %select_n3A_138 = arith.select %and3A, %add3A_137, %rem3A : i32
      %dma_wait3A_139 = arith.constant 4095 : i32
      %dma_wait3A_140 = arith.constant 0 : i32
      %dma_wait3A_141 = tpu.memref_slice %arg6[%dma_wait3A_140] : memref<4096xf32, #tpu.memory_space<vmem>> -> memref<2048xf32, #tpu.memory_space<vmem>>
      %dma_wait3A_142 = arith.constant 0 : i32
      %dma_wait3A_143 = tpu.memref_slice %arg3[%arg1, %dma_wait3A_139, %dma_wait3A_142] : memref<4x4096x4096xf32, #tpu.memory_space<hbm>> -> memref<1x1x2048xf32, #tpu.memory_space<hbm>>
      %dma_wait3A_144 = tpu.memref_squeeze %dma_wait3A_143 : memref<1x1x2048xf32, #tpu.memory_space<hbm>> -> memref<2048xf32, #tpu.memory_space<hbm>>
      %dma_wait3A_145 = arith.constant 0 : i32
      %dma_wait3A_146 = tpu.memref_slice %arg6[%dma_wait3A_145] : memref<4096xf32, #tpu.memory_space<vmem>> -> memref<2048xf32, #tpu.memory_space<vmem>>
      %dma_wait3A_147 = arith.constant 0 : i32
      %dma_wait3A_148 = tpu.memref_slice %arg3[%arg1, %dma_wait3A_139, %dma_wait3A_147] : memref<4x4096x4096xf32, #tpu.memory_space<hbm>> -> memref<1x1x2048xf32, #tpu.memory_space<hbm>>
      %dma_wait3A_149 = tpu.memref_squeeze %dma_wait3A_148 : memref<1x1x2048xf32, #tpu.memory_space<hbm>> -> memref<2048xf32, #tpu.memory_space<hbm>>
      tpu.wait_dma2 semaphore(%arg9 : memref<!tpu.dma_semaphore, #tpu.memory_space<semaphore_mem>>) src(%dma_wait3A_149 : memref<2048xf32, #tpu.memory_space<hbm>>) dst(%dma_wait3A_146 : memref<2048xf32, #tpu.memory_space<vmem>>)
      %dma_wait3A_150 = arith.constant 4095 : i32
      %dma_wait3A_151 = arith.constant 2048 : i32
      %dma_wait3A_152 = tpu.memref_slice %arg6[%dma_wait3A_151] : memref<4096xf32, #tpu.memory_space<vmem>> -> memref<2048xf32, #tpu.memory_space<vmem>>
      %dma_wait3A_153 = arith.constant 2048 : i32
      %dma_wait3A_154 = tpu.memref_slice %arg3[%arg1, %dma_wait3A_150, %dma_wait3A_153] : memref<4x4096x4096xf32, #tpu.memory_space<hbm>> -> memref<1x1x2048xf32, #tpu.memory_space<hbm>>
      %dma_wait3A_155 = tpu.memref_squeeze %dma_wait3A_154 : memref<1x1x2048xf32, #tpu.memory_space<hbm>> -> memref<2048xf32, #tpu.memory_space<hbm>>
      %dma_wait3A_156 = arith.constant 2048 : i32
      %dma_wait3A_157 = tpu.memref_slice %arg6[%dma_wait3A_156] : memref<4096xf32, #tpu.memory_space<vmem>> -> memref<2048xf32, #tpu.memory_space<vmem>>
      %dma_wait3A_158 = arith.constant 2048 : i32
      %dma_wait3A_159 = tpu.memref_slice %arg3[%arg1, %dma_wait3A_150, %dma_wait3A_158] : memref<4x4096x4096xf32, #tpu.memory_space<hbm>> -> memref<1x1x2048xf32, #tpu.memory_space<hbm>>
      %dma_wait3A_160 = tpu.memref_squeeze %dma_wait3A_159 : memref<1x1x2048xf32, #tpu.memory_space<hbm>> -> memref<2048xf32, #tpu.memory_space<hbm>>
      tpu.wait_dma2 semaphore(%arg10 : memref<!tpu.dma_semaphore, #tpu.memory_space<semaphore_mem>>) src(%dma_wait3A_160 : memref<2048xf32, #tpu.memory_space<hbm>>) dst(%dma_wait3A_157 : memref<2048xf32, #tpu.memory_space<vmem>>)
      %ne3A_161 = arith.constant 4095 : i32
      %ne3A_162 = arith.cmpi ne, %select_n3A_138, %ne3A_161 : i32
      %convert_element_type3A_163 = arith.extui %ne3A_162 : i1 to i32
      %cond3A_164 = arith.constant 0 : i32
      %cond3A_165 = arith.cmpi ne, %convert_element_type3A_163, %cond3A_164 : i32
      scf.if %cond3A_165 {
        "tpu.region"() ({
          %run_scoped3A = tpu.sem_alloc : memref<!tpu.dma_semaphore, #tpu.memory_space<semaphore_mem>>
          %dma_start3A_206 = arith.constant 0 : i32
          %dma_start3A_207 = tpu.memref_slice %arg3[%arg1, %select_n3A_138, %dma_start3A_206] : memref<4x4096x4096xf32, #tpu.memory_space<hbm>> -> memref<1x1x4096xf32, #tpu.memory_space<hbm>>
          %dma_start3A_208 = tpu.memref_squeeze %dma_start3A_207 : memref<1x1x4096xf32, #tpu.memory_space<hbm>> -> memref<4096xf32, #tpu.memory_space<hbm>>
          %dma_start3A_209 = arith.constant 0 : i32
          %dma_start3A_210 = tpu.memref_slice %arg3[%arg1, %select_n3A_138, %dma_start3A_209] : memref<4x4096x4096xf32, #tpu.memory_space<hbm>> -> memref<1x1x4096xf32, #tpu.memory_space<hbm>>
          %dma_start3A_211 = tpu.memref_squeeze %dma_start3A_210 : memref<1x1x4096xf32, #tpu.memory_space<hbm>> -> memref<4096xf32, #tpu.memory_space<hbm>>
          tpu.enqueue_dma source(%dma_start3A_211 : memref<4096xf32, #tpu.memory_space<hbm>>) target(%arg6 : memref<4096xf32, #tpu.memory_space<vmem>>) target_semaphore(%run_scoped3A : memref<!tpu.dma_semaphore, #tpu.memory_space<semaphore_mem>>)
          %dma_wait3A_212 = arith.constant 0 : i32
          %dma_wait3A_213 = tpu.memref_slice %arg3[%arg1, %select_n3A_138, %dma_wait3A_212] : memref<4x4096x4096xf32, #tpu.memory_space<hbm>> -> memref<1x1x4096xf32, #tpu.memory_space<hbm>>
          %dma_wait3A_214 = tpu.memref_squeeze %dma_wait3A_213 : memref<1x1x4096xf32, #tpu.memory_space<hbm>> -> memref<4096xf32, #tpu.memory_space<hbm>>
          %dma_wait3A_215 = arith.constant 0 : i32
          %dma_wait3A_216 = tpu.memref_slice %arg3[%arg1, %select_n3A_138, %dma_wait3A_215] : memref<4x4096x4096xf32, #tpu.memory_space<hbm>> -> memref<1x1x4096xf32, #tpu.memory_space<hbm>>
          %dma_wait3A_217 = tpu.memref_squeeze %dma_wait3A_216 : memref<1x1x4096xf32, #tpu.memory_space<hbm>> -> memref<4096xf32, #tpu.memory_space<hbm>>
          tpu.wait_dma2 semaphore(%run_scoped3A : memref<!tpu.dma_semaphore, #tpu.memory_space<semaphore_mem>>) src(%dma_wait3A_217 : memref<4096xf32, #tpu.memory_space<hbm>>) dst(%arg6 : memref<4096xf32, #tpu.memory_space<vmem>>)
          tpu.yield
        }) : () -> ()
      } else {
      }
      %dma_start3A_166 = arith.constant 0 : i32
      %dma_start3A_167 = tpu.memref_slice %arg6[%dma_start3A_166] : memref<4096xf32, #tpu.memory_space<vmem>> -> memref<2048xf32, #tpu.memory_space<vmem>>
      %dma_start3A_168 = arith.constant 0 : i32
      %dma_start3A_169 = tpu.memref_slice %arg4[%arg1, %dma_start3A_168] : memref<4x4096xf32, #tpu.memory_space<hbm>> -> memref<1x2048xf32, #tpu.memory_space<hbm>>
      %dma_start3A_170 = tpu.memref_squeeze %dma_start3A_169 : memref<1x2048xf32, #tpu.memory_space<hbm>> -> memref<2048xf32, #tpu.memory_space<hbm>>
      %dma_start3A_171 = arith.constant 0 : i32
      %dma_start3A_172 = tpu.memref_slice %arg4[%arg1, %dma_start3A_171] : memref<4x4096xf32, #tpu.memory_space<hbm>> -> memref<1x2048xf32, #tpu.memory_space<hbm>>
      %dma_start3A_173 = tpu.memref_squeeze %dma_start3A_172 : memref<1x2048xf32, #tpu.memory_space<hbm>> -> memref<2048xf32, #tpu.memory_space<hbm>>
      %dma_start3A_174 = arith.constant 0 : i32
      %dma_start3A_175 = tpu.memref_slice %arg6[%dma_start3A_174] : memref<4096xf32, #tpu.memory_space<vmem>> -> memref<2048xf32, #tpu.memory_space<vmem>>
      tpu.enqueue_dma source(%dma_start3A_175 : memref<2048xf32, #tpu.memory_space<vmem>>) target(%dma_start3A_173 : memref<2048xf32, #tpu.memory_space<hbm>>) target_semaphore(%arg7 : memref<!tpu.dma_semaphore, #tpu.memory_space<semaphore_mem>>)
      %dma_start3A_176 = arith.constant 2048 : i32
      %dma_start3A_177 = tpu.memref_slice %arg6[%dma_start3A_176] : memref<4096xf32, #tpu.memory_space<vmem>> -> memref<2048xf32, #tpu.memory_space<vmem>>
      %dma_start3A_178 = arith.constant 2048 : i32
      %dma_start3A_179 = tpu.memref_slice %arg4[%arg1, %dma_start3A_178] : memref<4x4096xf32, #tpu.memory_space<hbm>> -> memref<1x2048xf32, #tpu.memory_space<hbm>>
      %dma_start3A_180 = tpu.memref_squeeze %dma_start3A_179 : memref<1x2048xf32, #tpu.memory_space<hbm>> -> memref<2048xf32, #tpu.memory_space<hbm>>
      %dma_start3A_181 = arith.constant 2048 : i32
      %dma_start3A_182 = tpu.memref_slice %arg4[%arg1, %dma_start3A_181] : memref<4x4096xf32, #tpu.memory_space<hbm>> -> memref<1x2048xf32, #tpu.memory_space<hbm>>
      %dma_start3A_183 = tpu.memref_squeeze %dma_start3A_182 : memref<1x2048xf32, #tpu.memory_space<hbm>> -> memref<2048xf32, #tpu.memory_space<hbm>>
      %dma_start3A_184 = arith.constant 2048 : i32
      %dma_start3A_185 = tpu.memref_slice %arg6[%dma_start3A_184] : memref<4096xf32, #tpu.memory_space<vmem>> -> memref<2048xf32, #tpu.memory_space<vmem>>
      tpu.enqueue_dma source(%dma_start3A_185 : memref<2048xf32, #tpu.memory_space<vmem>>) target(%dma_start3A_183 : memref<2048xf32, #tpu.memory_space<hbm>>) target_semaphore(%arg8 : memref<!tpu.dma_semaphore, #tpu.memory_space<semaphore_mem>>)
      %dma_wait3A_186 = arith.constant 0 : i32
      %dma_wait3A_187 = tpu.memref_slice %arg6[%dma_wait3A_186] : memref<4096xf32, #tpu.memory_space<vmem>> -> memref<2048xf32, #tpu.memory_space<vmem>>
      %dma_wait3A_188 = arith.constant 0 : i32
      %dma_wait3A_189 = tpu.memref_slice %arg4[%arg1, %dma_wait3A_188] : memref<4x4096xf32, #tpu.memory_space<hbm>> -> memref<1x2048xf32, #tpu.memory_space<hbm>>
      %dma_wait3A_190 = tpu.memref_squeeze %dma_wait3A_189 : memref<1x2048xf32, #tpu.memory_space<hbm>> -> memref<2048xf32, #tpu.memory_space<hbm>>
      %dma_wait3A_191 = arith.constant 0 : i32
      %dma_wait3A_192 = tpu.memref_slice %arg4[%arg1, %dma_wait3A_191] : memref<4x4096xf32, #tpu.memory_space<hbm>> -> memref<1x2048xf32, #tpu.memory_space<hbm>>
      %dma_wait3A_193 = tpu.memref_squeeze %dma_wait3A_192 : memref<1x2048xf32, #tpu.memory_space<hbm>> -> memref<2048xf32, #tpu.memory_space<hbm>>
      %dma_wait3A_194 = arith.constant 0 : i32
      %dma_wait3A_195 = tpu.memref_slice %arg6[%dma_wait3A_194] : memref<4096xf32, #tpu.memory_space<vmem>> -> memref<2048xf32, #tpu.memory_space<vmem>>
      tpu.wait_dma2 semaphore(%arg7 : memref<!tpu.dma_semaphore, #tpu.memory_space<semaphore_mem>>) src(%dma_wait3A_195 : memref<2048xf32, #tpu.memory_space<vmem>>) dst(%dma_wait3A_193 : memref<2048xf32, #tpu.memory_space<hbm>>)
      %dma_wait3A_196 = arith.constant 2048 : i32
      %dma_wait3A_197 = tpu.memref_slice %arg6[%dma_wait3A_196] : memref<4096xf32, #tpu.memory_space<vmem>> -> memref<2048xf32, #tpu.memory_space<vmem>>
      %dma_wait3A_198 = arith.constant 2048 : i32
      %dma_wait3A_199 = tpu.memref_slice %arg4[%arg1, %dma_wait3A_198] : memref<4x4096xf32, #tpu.memory_space<hbm>> -> memref<1x2048xf32, #tpu.memory_space<hbm>>
      %dma_wait3A_200 = tpu.memref_squeeze %dma_wait3A_199 : memref<1x2048xf32, #tpu.memory_space<hbm>> -> memref<2048xf32, #tpu.memory_space<hbm>>
      %dma_wait3A_201 = arith.constant 2048 : i32
      %dma_wait3A_202 = tpu.memref_slice %arg4[%arg1, %dma_wait3A_201] : memref<4x4096xf32, #tpu.memory_space<hbm>> -> memref<1x2048xf32, #tpu.memory_space<hbm>>
      %dma_wait3A_203 = tpu.memref_squeeze %dma_wait3A_202 : memref<1x2048xf32, #tpu.memory_space<hbm>> -> memref<2048xf32, #tpu.memory_space<hbm>>
      %dma_wait3A_204 = arith.constant 2048 : i32
      %dma_wait3A_205 = tpu.memref_slice %arg6[%dma_wait3A_204] : memref<4096xf32, #tpu.memory_space<vmem>> -> memref<2048xf32, #tpu.memory_space<vmem>>
      tpu.wait_dma2 semaphore(%arg8 : memref<!tpu.dma_semaphore, #tpu.memory_space<semaphore_mem>>) src(%dma_wait3A_205 : memref<2048xf32, #tpu.memory_space<vmem>>) dst(%dma_wait3A_203 : memref<2048xf32, #tpu.memory_space<hbm>>)
    } else {
    }
    return
  }
}

</mosaic_0001>

<sc_bundles>
// kernel: kernel.3.cloned.1.call-start
scs
__scs_entry_jumppad:
0x0: {  	(pc) =	sbr.rel $0x88, $3  }
0x1: {  	(tag) =	ssettag $0x0;
	lr =	simm.s32 $0x1  }
0x2: {  	[smem:$0x3F9F] =	sst lr;
	_ =	strace $0xD0000000  }
0x3: {  	_ = 	snop  }
0x4: {  	_ = 	snop  }
0x5: {  	_ = 	snop  }
0x6: {  	_ = 	snop  }
0x7: {  	_ = 	snop  }
__scs_overlays_trampoline_lowered:
0x8: {  	[smem:$0x3FAE] =	sst s0  }
0x9: {  	[smem:$0x3FAF] =	sst s1  }
0xa: {  	[smem:$0x3FB0] =	sst s2  }
0xb: {  	[smem:$0x3FB1] =	sst s3  }
0xc: {  	[smem:$0x3FB2] =	sst s4  }
0xd: {  	[smem:$0x3FB3] =	sst s5  }
0xe: {  	[smem:$0x3FB4] =	sst s6  }
0xf: {  	[smem:$0x3FB5] =	sst s7  }
0x10: {  	[smem:$0x3FB6] =	sst s8  }
0x11: {  	[smem:$0x3FB7] =	sst s9;
	s0 =	simm.s32 @!p0 $0x0  }
0x12: {  	s1 =	sld [smem:$0x3F9D];
	s0 =	simm.s32 @p0 $0x1  }
0x13: {  	[smem:$0x3FB8] =	sst s0;
	s0 =	simm.s32 @!p1 $0x0  }
0x14: {  	s2 =	sld [smem:$0x3F9C];
	s0 =	simm.s32 @p1 $0x1  }
0x15: {  	[smem:$0x3FB9] =	sst s0;
	s0 =	simm.s32 @!p2 $0x0  }
0x16: {  	s3 =	sld [smem:$0x3FDB];
	s0 =	simm.s32 @p2 $0x1  }
0x17: {  	s4 =	simm.s32 $0x1BF5;
	[smem:$0x3FBB] =	sst s0  }
0x18: {  	s0 =	sld [smem:$0x3F9E];
	_ =	swait.ge [sflag:s4], $0x0  }
0x19: {  	s7 =	sld [smem:$0x3F9F]  }
0x1a: {  	s8 =	sadd.s32 $0xFFFFE003, lr  }
0x1b: {  	s9 =	sadd.s32 $0xFFFFFEF7, lr;
	s5 =	simm.s32 $0xFFFFFFFF;
	p2 =	slt.u32 s8, $0xFFFFF086  }
0x1c: {  	p1 =	slt.u32 s9, $0xF7A;
	s5 =	simm.s32 @!p2 $0x0  }
0x1d: {  	s5 =	simm.s32 @p1 $0x1;
	p0 =	seq.s32 s7, s2  }
0x1e: {  	s7 =	smul.u32 @!p0 $0xF7A, s2;
	p2 =	seq.s32 @!p0 s5, $0x0  }
0x1f: {  	s9 =	smul.u32 $0xF7A, s1;
	s8 =	simm.s32 @!p0 $0x1BF5;
	p2 =	por !p2, p0  }
0x20: {  	[sflag:s8] =	ssyncset.s32 @!p0 $0xFFFFF086;
	s6 =	sadd.s32 @!p0 s3, s7;
	s7 =	simm.s32 @!p0 $0x108  }
0x21: {  	s3 =	sadd.s32 s3, s9;
	s6 =	sadd.s32 @!p0 $0x88, s6;
	s7 =	simm.s32 @p2 $0x1082  }
0x22: {  	[simem:s7], [sflag:s8] =	dma.local @!p0 [hbm:s6], $0xF7A  }
0x23: {  	s9 =	sor.u32 $0xD0000000, s2;
	s6 =	simm.s32 $0x108;
	_ =	swait.ge @!p0 [sflag:s8], $0x0  }
0x24: {  	s3 =	sadd.s32 $0x88, s3;
	s6 =	simm.s32 @!p1 $0x1082;
	[sflag:s4] =	ssyncset.s32 $0xFFFFF086  }
0x25: {  	[simem:s6], [sflag:s4] =	dma.local [hbm:s3], $0xF7A  }
0x26: {  	[smem:$0x3F9F] =	sst s1;
	(tag) =	ssettag s2;
	_ =	strace s9  }
0x27: {  	s1 =	sld [smem:$0x3FAF]  }
0x28: {  	s2 =	sld [smem:$0x3FB0]  }
0x29: {  	s4 =	sld [smem:$0x3FB2]  }
0x2a: {  	p0 =	seq.s32 s5, $0x0;
	s5 =	sld [smem:$0x3FB3]  }
0x2b: {  	s6 =	sld [smem:$0x3FB4]  }
0x2c: {  	s7 =	sld [smem:$0x3FB5]  }
0x2d: {  	s3 =	simm.s32 $0x108;
	s8 =	sld [smem:$0x3FB6]  }
0x2e: {  	s3 =	simm.s32 @!p0 $0x1082;
	s9 =	sld [smem:$0x3FB7]  }
0x2f: {  	lr =	sadd.s32 s0, s3;
	s0 =	sld [smem:$0x3FAE]  }
0x30: {  	s3 =	sld [smem:$0x3FB1]  }
0x31: {  	[smem:$0x3FBA] =	sst s10  }
0x32: {  	s10 =	sld [smem:$0x3FB8];
	_ =	sdelay $0x3  }
0x33: {  	p0 =	seq.s32 s10, $0x1;
	s10 =	sld [smem:$0x3FBA];
	_ =	sdelay $0x3  }
0x34: {  	[smem:$0x3FBA] =	sst s10  }
0x35: {  	s10 =	sld [smem:$0x3FB9];
	_ =	sdelay $0x3  }
0x36: {  	p1 =	seq.s32 s10, $0x1;
	s10 =	sld [smem:$0x3FBA];
	_ =	sdelay $0x3  }
0x37: {  	[smem:$0x3FBA] =	sst s10  }
0x38: {  	s10 =	sld [smem:$0x3FBB]  }
0x39: {  	_ = 	snop;
	(pc) =	sbr.ind lr, $3  }
0x3a: {  	_ = 	snop  }
0x3b: {  	_ = 	snop  }
0x3c: {  	p2 =	seq.s32 s10, $0x1;
	s10 =	sld [smem:$0x3FBA]  }
0x3d: {  	_ =	shalt  }
0x3e: {  	_ =	shalt  }
0x3f: {  	_ =	shalt  }
0x40: {  	_ =	shalt  }
0x41: {  	_ =	shalt  }
0x42: {  	_ =	shalt  }
0x43: {  	_ =	shalt  }
0x44: {  	_ =	shalt  }
0x45: {  	_ =	shalt  }
0x46: {  	_ =	shalt  }
0x47: {  	_ =	shalt  }
0x48: {  	_ =	shalt  }
0x49: {  	_ =	shalt  }
0x4a: {  	_ =	shalt  }
0x4b: {  	_ =	shalt  }
0x4c: {  	_ =	shalt  }
0x4d: {  	_ =	shalt  }
0x4e: {  	_ =	shalt  }
0x4f: {  	_ =	shalt  }
0x50: {  	_ =	shalt  }
0x51: {  	_ =	shalt  }
0x52: {  	_ =	shalt  }
0x53: {  	_ =	shalt  }
0x54: {  	_ =	shalt  }
0x55: {  	_ =	shalt  }
0x56: {  	_ =	shalt  }
0x57: {  	_ =	shalt  }
0x58: {  	_ =	shalt  }
0x59: {  	_ =	shalt  }
0x5a: {  	_ =	shalt  }
0x5b: {  	_ =	shalt  }
0x5c: {  	_ =	shalt  }
0x5d: {  	_ =	shalt  }
0x5e: {  	_ =	shalt  }
0x5f: {  	_ =	shalt  }
0x60: {  	_ =	shalt  }
0x61: {  	_ =	shalt  }
0x62: {  	_ =	shalt  }
0x63: {  	_ =	shalt  }
0x64: {  	_ =	shalt  }
0x65: {  	_ =	shalt  }
0x66: {  	_ =	shalt  }
0x67: {  	_ =	shalt  }
0x68: {  	_ =	shalt  }
0x69: {  	_ =	shalt  }
0x6a: {  	_ =	shalt  }
0x6b: {  	_ =	shalt  }
0x6c: {  	_ =	shalt  }
0x6d: {  	_ =	shalt  }
0x6e: {  	_ =	shalt  }
0x6f: {  	_ =	shalt  }
0x70: {  	_ =	shalt  }
0x71: {  	_ =	shalt  }
0x72: {  	_ =	shalt  }
0x73: {  	_ =	shalt  }
0x74: {  	_ =	shalt  }
0x75: {  	_ =	shalt  }
0x76: {  	_ =	shalt  }
0x77: {  	_ =	shalt  }
0x78: {  	_ =	shalt  }
0x79: {  	_ =	shalt  }
0x7a: {  	_ =	shalt  }
0x7b: {  	_ =	shalt  }
0x7c: {  	_ =	shalt  }
0x7d: {  	_ =	shalt  }
0x7e: {  	_ =	shalt  }
0x7f: {  	_ =	shalt  }
0x80: {  	_ =	shalt  }
0x81: {  	_ =	shalt  }
0x82: {  	_ =	shalt  }
0x83: {  	_ =	shalt  }
0x84: {  	_ =	shalt  }
0x85: {  	_ =	shalt  }
0x86: {  	_ =	shalt  }
0x87: {  	_ =	shalt  }
.Lfunc_end0:
.L_simem_size_0:
called_computation_lowered:
.L_overlay_start_0:
0x88: {  	s0 =	sld [smem:$0x3FD9]  }
0x89: {  	s1 =	sld [smem:$0x3FFE];
	_ =	sdelay $0x3  }
0x8a: {  	s0 =	sadd.s32 s1, s0  }
0x8b: {  	[smem:$0x3FC6] =	sst s0  }
0x8c: {  	_ = 	snop  }
0x8d: {  	s0 =	sld [smem:$0x3FC9]  }
0x8e: {  	s17 =	sld [smem:$0x3FC8]  }
0x8f: {  	s2 =	sld [smem:$0x3FD0];
	(tm) =	ssettm $0x1  }
0x90: {  	s3 =	sld [smem:$0x3FFB];
	_ =	sdelay $0x3  }
0x91: {  	_ =	strace s3  }
0x92: {  	s3 =	sld [smem:$0x3FFC];
	_ =	sdelay $0x3  }
0x93: {  	_ =	strace s3  }
0x94: {  	s3 =	sld [smem:$0x3FFD];
	_ =	sdelay $0x3  }
0x95: {  	_ =	strace s3  }
0x96: {  	_ =	strace $0x8FFFFFFF  }
0x97: {  	s18 =	sld [smem:$0x3FDB];
	_ =	sdelay $0x1  }
0x98: {  	s4 =	simm.s32 $_scs_section_size  }
0x99: {  	s5 =	simm.s32 $_size__tile_overlayer_lowered;
	s6 =	simm.s32 $_tile_overlayer_lowered  }
0x9a: {  	s21 =	simm.s32 $0x1BFF;
	s20 =	sshll.u32 s6, $0x1;
	s3 =	sadd.s32 s4, s18  }
0x9b: {  	s7 =	simm.s32 $0x0;
	s19 =	sshll.u32 s5, $0x1;
	s5 =	sadd.s32 s20, s3  }
0x9c: {  	[timem:s7], [sflag:s21] =	dma.local [hbm:s5], s19  }
0x9d: {  	_ =	swait.ge [sflag:s21], s19  }
0x9e: {  	s4 =	ssub.s32 $0x0, s19;
	[sflag:s21] =	ssyncset.done $0x0  }
0x9f: {  	[sflag:s21] =	ssyncadd.s32 s4;
	_ =	sdelay $0x1  }
0xa0: {  	s22 =	simm.s32 $0x1B8B  }
0xa1: {  	_ =	swait.ge [sflag:s22], $0x1  }
0xa2: {  	[sflag:s22] =	ssyncset.done $0x0  }
0xa3: {  	s23 =	simm.s32 $0x1B8E;
	[sflag:s22] =	ssyncadd.s32 $0xFFFFFFFF  }
0xa4: {  	s24 =	simm.s32 $execute0_lowered;
	[smem:$0x3FD2] =	sst s23  }
0xa5: {  	s4 =	sshll.u32 s24, $0x1;
	_ =	strace $0x80000046;
	[dreg:$0x1] =	wrdreg $0xFFFFFFFF  }
0xa6: {  	s25 =	simm.s32 $_size_execute0_lowered;
	s3 =	sadd.s32 s3, s4;
	[dreg:$0x0] =	wrdreg $0x0  }
0xa7: {  	s4 =	sshll.u32 s25, $0x1;
	[dreg:$0x2] =	wrdreg s3  }
0xa8: {  	[dreg:$0x3] =	wrdreg s4  }
0xa9: {  	[dreg:$0x4] =	wrdreg $0xC0  }
0xaa: {  	_ =	task [dreg:s7], $0x5FFFF  }
0xab: {  	[dreg:$0x1] =	wrdreg $0xFFFFFFFF  }
0xac: {  	[dreg:$0x0] =	wrdreg $0x60  }
0xad: {  	[dreg:$0x2] =	wrdreg s0  }
0xae: {  	[dreg:$0x3] =	wrdreg s17  }
0xaf: {  	[dreg:$0x4] =	wrdreg s2  }
0xb0: {  	[dreg:$0x5] =	wrdreg $0x9  }
0xb1: {  	_ =	task.clear_ibuf [dreg:s7], $0x6FFFF;
	_ =	strace $0x90000046  }
0xb2: {  	s26 =	simm.s32 $0x9;
	_ =	strace $0x80000048  }
0xb3: {  	_ =	swait.ge [sflag:s26], $0x1  }
0xb4: {  	[sflag:s26] =	ssyncadd.s32 $0xFFFFFFFF  }
0xb5: {  	_ =	strace $0x90000048  }
0xb6: {  	_ =	sfence  }
0xb7: {  	s28 =	sld [smem:$0x0];
	_ =	sdelay $0x1  }
0xb8: {  	s29 =	srdreg.scid  }
0xb9: {  	s30 =	sshll.u32 s29, $0xD;
	s31 =	sshrl.u32 s29, $0x2  }
0xba: {  	s1 =	sand.u32 $0x1, s29;
	s2 =	sand.u32 $0x4000, s30;
	s0 =	sadd.s32 s31, s28  }
0xbb: {  	s1 =	sor.u32 s2, s1;
	s0 =	sshll.u32 s0, $0x11  }
0xbc: {  	s0 =	sor.u32 s0, s1  }
0xbd: {  	s0 =	sadd.s32 $0x8F2B, s0  }
0xbe: {  	[sflag:s0] =	ssyncadd.remote.s32 $0x1  }
0xbf: {  	_ =	sfence.sel $0xFFFF  }
0xc0: {  	[dreg:$0x0] =	wrdreg $0xFFFFFFFF;
	(pc) =	sbr.abs _section_cstart, $3  }
0xc1: {  	[dreg:$0x1] =	wrdreg $0xFFFFFFFF  }
0xc2: {  	_ =	task.clear_ibuf [dreg:s7], $0x2FFFF;
	_ =	strace $0x9FFFFFFF  }
0xc3: {  	(tm) =	ssettm $0x7FFFFFFF  }
tec
execute0_lowered:
.L_overlay_start_1:
0x0: {  	(tag) =	ssettag $0x1  }
0x1: {  	s1 =	stileid.u32  }
0x2: {  	p0 =	sgt.u32 s1, $0x3  }
.Ltmp0:
0x3: {  	s3 =	rddreg [dreg:$0x0];
	(pc) =	sbr.rel @p0 .LBB2_6-.Ltmp0, $4  }
0x4: {  	s2 =	rddreg [dreg:$0x1]  }
0x5: {  	s4 =	rddreg [dreg:$0x2];
	s6 =	simm.s32 $0x0  }
0x6: {  	[smem:$0x7FF] =	sst s6  }
0x7: {  	s0 =	rddreg [dreg:$0x3];
	_ =	strace $0x80000047  }
0x8: {  	s7 =	sshll.u32 s1, $0x4;
	s5 =	sshll.u32 s1, $0x15;
	s10 =	simm.s32 $0x80  }
0x9: {  	s11 =	simm.s32 $0x200;
	s8 =	sor.u32 $0x400, s7;
	s9 =	sadd.s32 s3, s7  }
0xa: {  	[tilespmem:s6], [sflag:$0x1] =	stream.strided.gather [hbm4b:s9+s10], $0x800, s11, s10, $0x38;
	[tilespmem:$0x2000] =	vst v63  }
0xb: {  	s16 =	simm.s32 $0x800;
	s5 =	sadd.s32 s5, s2;
	s15 =	sadd.s32 s3, s8  }
0xc: {  	[tilespmem:s16], [sflag:$0x2] =	stream.strided.gather [hbm4b:s15+s10], $0x800, s11, s10, $0x38;
	[tilespmem:$0x2000] =	vst v63  }
0xd: {  	s18 =	simm.s32 $0x400;
	s19 =	simm.s32 $0x1000;
	s17 =	sadd.s32 $0x1FF070, s5  }
0xe: {  	[tilespmem:s19], [sflag:$0x3] =	stream.strided.gather [hbm4b:s17+s10], $0x800, s18, s10, $0x38;
	[tilespmem:$0x2000] =	vst v63  }
0xf: {  	s21 =	simm.s32 $0x1800;
	s22 =	simm.s32 $0x1;
	s20 =	sadd.s32 $0x1FF870, s5  }
0x10: {  	[tilespmem:s21], [sflag:$0x4] =	stream.strided.gather [hbm4b:s20+s10], $0x800, s18, s10, $0x38;
	[tilespmem:$0x2000] =	vst v63  }
0x11: {  	_ =	swait.ge [sflag:s22], $0x800  }
0x12: {  	[sflag:s22] =	ssyncset.done $0x0  }
0x13: {  	s23 =	simm.s32 $0x40;
	[sflag:s22] =	ssyncadd.s32 $0xFFFFF800  }
0x14: {  	v7 =	vld [tilespmem:s23+$0x20]  }
0x15: {  	v8 =	vld [tilespmem:s23+$0x30]  }
0x16: {  	v9 =	vld [tilespmem:s23+$0x0]  }
0x17: {  	v10 =	vld [tilespmem:s23+$0x10]  }
0x18: {  	v11 =	vld [tilespmem:s23+$0xFFFFFFE0]  }
0x19: {  	v0 =	vlaneseq.u32;
	v12 =	vld [tilespmem:s23+$0xFFFFFFC0]  }
0x1a: {  	v3 =	vimm.s32 $0x1000;
	s24 =	simm.s32 $0x60;
	s25 =	simm.s32 $0x70;
	s26 =	simm.s32 $0x20;
	v14 =	vor.u32 s6, v0;
	v13 =	vld [tilespmem:s23+$0xFFFFFFD0]  }
0x1b: {  	s28 =	simm.s32 $0x40;
	s29 =	simm.s32 $0x50;
	s30 =	simm.s32 $0x10;
	v2 =	vor.u32 s24, v0;
	v1 =	vor.u32 s25, v0;
	v16 =	vor.u32 s26, v0;
	v15 =	vld [tilespmem:s23+$0xFFFFFFF0]  }
0x1c: {  	s31 =	simm.s32 $0x30;
	v5 =	vor.u32 s28, v0;
	v4 =	vor.u32 s29, v0;
	v17 =	vor.u32 s30, v0  }
0x1d: {  	v6 =	vor.u32 s31, v0;
	vm1 =	veq.s32 v7, $0x0;
	vm3 =	veq.s32 v9, $0x0  }
0x1e: {  	vm2 =	veq.s32 v10, $0x0;
	vm0 =	veq.s32 v8, $0x0;
	vm4 =	veq.s32 v12, $0x0  }
0x1f: {  	vm5 =	veq.s32 v13, $0x0;
	vm7 =	veq.s32 v11, $0x0;
	v7 =	vimm.s32 $0x1000  }
0x20: {  	s5 =	sshll.u32 s1, $0x18;
	s3 =	sadd.s32 s4, s7;
	v9 =	vnsel vm4, $0x1000, v14;
	v10 =	vnsel vm5, $0x1000, v17;
	vm4 =	veq.s32 v15, $0x0  }
0x21: {  	s4 =	sadd.s32 s4, s8;
	s7 =	simm.s32 $0x0;
	s8 =	simm.s32 $0xC0;
	v8 =	vnsel vm7, $0x1000, v16;
	vm5 =	vlt.s32 v3, v9;
	vm6 =	vlt.s32 v3, v10  }
.LBB2_2:
0x22: {  	v11 =	vld [tilespmem:s8+$0x20];
	v3 =	vsel vm5, v3, v9;
	v7 =	vsel vm6, v7, v10;
	v6 =	vnsel vm4, $0x1000, v6  }
0x23: {  	v5 =	vnsel vm3, $0x1000, v5;
	v9 =	vld [tilespmem:s8+$0x30];
	vm4 =	vlt.s32 v3, v8;
	vm5 =	vlt.s32 v7, v6  }
0x24: {  	v4 =	vnsel vm2, $0x1000, v4;
	v10 =	vld [tilespmem:s8+$0x0];
	v3 =	vsel vm4, v3, v8;
	v6 =	vsel vm5, v7, v6  }
0x25: {  	v2 =	vnsel vm1, $0x1000, v2;
	v8 =	vld [tilespmem:s8+$0x10];
	vm2 =	vlt.s32 v3, v5;
	vm3 =	vlt.s32 v6, v4  }
0x26: {  	v1 =	vnsel vm0, $0x1000, v1;
	s6 =	sadd.s32 $0x80, s6;
	v12 =	vld [tilespmem:s8+$0xFFFFFFE0];
	v3 =	vsel vm2, v3, v5;
	v4 =	vsel vm3, v6, v4  }
0x27: {  	s9 =	sadd.s32 $0x60, s6;
	v13 =	vld [tilespmem:s8+$0xFFFFFFC0];
	vm0 =	vlt.s32 v3, v2;
	vm1 =	vlt.s32 v4, v1  }
0x28: {  	s7 =	sadd.s32 $0x4, s7;
	s10 =	sadd.s32 $0x40, s6;
	s11 =	sadd.s32 $0x70, s6;
	v14 =	vld [tilespmem:s8+$0xFFFFFFD0];
	v3 =	vsel vm0, v3, v2;
	v7 =	vsel vm1, v4, v1  }
0x29: {  	v15 =	vor.u32 s6, v0;
	s12 =	sadd.s32 $0x20, s6;
	s13 =	sadd.s32 $0x50, s6;
	p0 =	slt.u32 s7, $0x3C;
	v2 =	vor.u32 s9, v0;
	v1 =	vor.u32 s11, v0;
	v16 =	vld [tilespmem:s8+$0xFFFFFFF0]  }
0x2a: {  	v17 =	vor.u32 s12, v0;
	v5 =	vor.u32 s10, v0;
	s9 =	sadd.s32 $0x10, s6;
	s11 =	sadd.s32 $0x30, s6;
	v4 =	vor.u32 s13, v0  }
.Ltmp1:
0x2b: {  	vm1 =	veq.s32 v11, $0x0;
	v18 =	vor.u32 s9, v0;
	v6 =	vor.u32 s11, v0;
	(pc) =	sbr.rel @p0 .LBB2_2-.Ltmp1, $4  }
0x2c: {  	vm0 =	veq.s32 v9, $0x0;
	vm3 =	veq.s32 v10, $0x0;
	vm2 =	veq.s32 v8, $0x0  }
0x2d: {  	vm7 =	veq.s32 v12, $0x0;
	vm4 =	veq.s32 v13, $0x0;
	vm5 =	veq.s32 v14, $0x0  }
0x2e: {  	v9 =	vnsel vm4, $0x1000, v15;
	v10 =	vnsel vm5, $0x1000, v18;
	vm4 =	veq.s32 v16, $0x0  }
0x2f: {  	s8 =	sadd.s32 $0x80, s8;
	v8 =	vnsel vm7, $0x1000, v17;
	vm5 =	vlt.s32 v3, v9;
	vm6 =	vlt.s32 v7, v10  }
0x30: {  	s6 =	simm.s32 $0x2  }
0x31: {  	_ =	swait.ge [sflag:s6], $0x800  }
0x32: {  	[sflag:s6] =	ssyncset.done $0x0  }
0x33: {  	[sflag:s6] =	ssyncadd.s32 $0xFFFFF800;
	s6 =	simm.s32 $0x870  }
0x34: {  	v0 =	vsel vm5, v3, v9;
	v3 =	vsel vm6, v7, v10;
	v6 =	vnsel vm4, $0x1000, v6;
	v9 =	vld [tilespmem:s6+$0xFFFFFFF0]  }
0x35: {  	v5 =	vnsel vm3, $0x1000, v5;
	vm4 =	vlt.s32 v0, v8;
	vm5 =	vlt.s32 v3, v6;
	v10 =	vld [tilespmem:s6+$0x0]  }
0x36: {  	v4 =	vnsel vm2, $0x1000, v4;
	v0 =	vsel vm4, v0, v8;
	v3 =	vsel vm5, v3, v6;
	v8 =	vld [tilespmem:s6+$0xFFFFFFD0]  }
0x37: {  	v2 =	vnsel vm1, $0x1000, v2;
	vm2 =	vlt.s32 v0, v5;
	vm3 =	vlt.s32 v3, v4;
	v11 =	vld [tilespmem:s6+$0xFFFFFFE0]  }
0x38: {  	v1 =	vnsel vm0, $0x1000, v1;
	v0 =	vsel vm2, v0, v5;
	v4 =	vsel vm3, v3, v4;
	v12 =	vld [tilespmem:s6+$0xFFFFFFB0]  }
0x39: {  	v13 =	vld [tilespmem:s6+$0xFFFFFF90];
	vm0 =	vlt.s32 v0, v2;
	vm1 =	vlt.s32 v4, v1  }
0x3a: {  	s7 =	simm.s32 $0x860;
	s8 =	simm.s32 $0x840;
	v14 =	vld [tilespmem:s6+$0xFFFFFFA0];
	v3 =	vsel vm0, v0, v2;
	v4 =	vsel vm1, v4, v1;
	v0 =	vlaneseq.u32  }
0x3b: {  	s9 =	simm.s32 $0x850;
	s10 =	simm.s32 $0x820;
	s11 =	simm.s32 $0x830;
	v15 =	vld [tilespmem:s6+$0xFFFFFFC0];
	v5 =	vor.u32 s8, v0;
	v2 =	vor.u32 s7, v0;
	v1 =	vor.u32 s6, v0  }
0x3c: {  	s30 =	simm.s32 $0x800;
	s31 =	simm.s32 $0x810;
	v16 =	vor.u32 s10, v0;
	v7 =	vor.u32 s11, v0;
	v6 =	vor.u32 s9, v0  }
0x3d: {  	v17 =	vor.u32 s30, v0;
	v18 =	vor.u32 s31, v0;
	vm1 =	veq.s32 v9, $0x0  }
0x3e: {  	vm3 =	veq.s32 v8, $0x0;
	vm2 =	veq.s32 v11, $0x0;
	vm0 =	veq.s32 v10, $0x0  }
0x3f: {  	vm4 =	veq.s32 v13, $0x0;
	vm5 =	veq.s32 v14, $0x0;
	vm7 =	veq.s32 v12, $0x0  }
0x40: {  	v9 =	vnsel vm4, $0x1000, v17;
	v10 =	vnsel vm5, $0x1000, v18;
	vm4 =	veq.s32 v15, $0x0  }
0x41: {  	s7 =	simm.s32 $0x0;
	s8 =	simm.s32 $0x8F0;
	v8 =	vnsel vm7, $0x1000, v16;
	vm5 =	vlt.s32 v3, v9;
	vm6 =	vlt.s32 v4, v10  }
.LBB2_4:
0x42: {  	v11 =	vld [tilespmem:s8+$0xFFFFFFF0];
	v3 =	vsel vm5, v3, v9;
	v4 =	vsel vm6, v4, v10;
	v7 =	vnsel vm4, $0x1000, v7  }
0x43: {  	v5 =	vnsel vm3, $0x1000, v5;
	v9 =	vld [tilespmem:s8+$0x0];
	vm4 =	vlt.s32 v3, v8;
	vm5 =	vlt.s32 v4, v7  }
0x44: {  	v6 =	vnsel vm2, $0x1000, v6;
	v10 =	vld [tilespmem:s8+$0xFFFFFFD0];
	v3 =	vsel vm4, v3, v8;
	v4 =	vsel vm5, v4, v7  }
0x45: {  	v2 =	vnsel vm1, $0x1000, v2;
	v8 =	vld [tilespmem:s8+$0xFFFFFFE0];
	vm2 =	vlt.s32 v3, v5;
	vm3 =	vlt.s32 v4, v6  }
0x46: {  	v1 =	vnsel vm0, $0x1000, v1;
	s6 =	sadd.s32 $0x80, s6;
	v12 =	vld [tilespmem:s8+$0xFFFFFFB0];
	v3 =	vsel vm2, v3, v5;
	v4 =	vsel vm3, v4, v6  }
0x47: {  	s9 =	sadd.s32 $0xFFFFFFF0, s6;
	v13 =	vld [tilespmem:s8+$0xFFFFFF90];
	vm0 =	vlt.s32 v3, v2;
	vm1 =	vlt.s32 v4, v1  }
0x48: {  	s7 =	sadd.s32 $0x4, s7;
	s10 =	sadd.s32 $0xFFFFFFD0, s6;
	s11 =	sadd.s32 $0xFFFFFFE0, s6;
	v14 =	vld [tilespmem:s8+$0xFFFFFFA0];
	v3 =	vsel vm0, v3, v2;
	v4 =	vsel vm1, v4, v1  }
0x49: {  	s12 =	sadd.s32 $0xFFFFFFB0, s6;
	s13 =	sadd.s32 $0xFFFFFFC0, s6;
	p0 =	slt.u32 s7, $0x3C;
	v5 =	vor.u32 s10, v0;
	v2 =	vor.u32 s9, v0;
	v1 =	vor.u32 s6, v0;
	v15 =	vld [tilespmem:s8+$0xFFFFFFC0]  }
0x4a: {  	v16 =	vor.u32 s12, v0;
	v7 =	vor.u32 s13, v0;
	s10 =	sadd.s32 $0xFFFFFFA0, s6;
	v6 =	vor.u32 s11, v0;
	s9 =	sadd.s32 $0xFFFFFF90, s6  }
.Ltmp2:
0x4b: {  	v18 =	vor.u32 s10, v0;
	vm1 =	veq.s32 v11, $0x0;
	v17 =	vor.u32 s9, v0;
	(pc) =	sbr.rel @p0 .LBB2_4-.Ltmp2, $4  }
0x4c: {  	vm0 =	veq.s32 v9, $0x0;
	vm3 =	veq.s32 v10, $0x0;
	vm2 =	veq.s32 v8, $0x0  }
0x4d: {  	vm7 =	veq.s32 v12, $0x0;
	vm4 =	veq.s32 v13, $0x0;
	vm5 =	veq.s32 v14, $0x0  }
0x4e: {  	v9 =	vnsel vm4, $0x1000, v17;
	v10 =	vnsel vm5, $0x1000, v18;
	vm4 =	veq.s32 v15, $0x0  }
0x4f: {  	s8 =	sadd.s32 $0x80, s8;
	v8 =	vnsel vm7, $0x1000, v16;
	vm5 =	vlt.s32 v3, v9;
	vm6 =	vlt.s32 v4, v10  }
0x50: {  	v0 =	vsel vm5, v3, v9  }
0x51: {  	v45 =	vsel vm6, v4, v10;
	v46 =	vnsel vm4, $0x1000, v7;
	v5 =	vnsel vm3, $0x1000, v5  }
0x52: {  	v47 =	vnsel vm2, $0x1000, v6;
	v2 =	vnsel vm1, $0x1000, v2;
	v1 =	vnsel vm0, $0x1000, v1  }
0x53: {  	v48 =	vimm.s32 $0xEFCDAB89;
	v49 =	vimm.s32 $0x67452301;
	vm10 =	vlt.s32 v0, v8  }
0x54: {  	v52 =	vimm.s32 $0xDCFE98BA;
	vm11 =	vlt.s32 v45, v46;
	v0 =	vsel vm10, v0, v8  }
0x55: {  	v4 =	vunpack.c.l.s4.s8 v48;
	v3 =	vsel vm11, v45, v46;
	vm12 =	vlt.s32 v0, v5  }
0x56: {  	vm13 =	vlt.s32 v3, v47;
	v0 =	vsel vm12, v0, v5;
	v5 =	vunpack.c.l.s4.s8 v49  }
0x57: {  	v53 =	vimm.s32 $0x54761032;
	v50 =	vunpack.c.0.s8.s32 v4;
	v3 =	vsel vm13, v3, v47  }
0x58: {  	vm14 =	vlt.s32 v0, v2;
	vm15 =	vlt.s32 v3, v1;
	v51 =	vunpack.c.0.s8.s32 v5  }
0x59: {  	v54 =	vunpack.c.l.s4.s8 v52;
	v0 =	vsel vm14, v0, v2;
	v1 =	vsel vm15, v3, v1  }
0x5a: {  	v55 =	vunpack.c.l.s4.s8 v53;
	vm0 =	vlt.s32 v0, v1;
	v2 =	vcombine.low v51, v50  }
0x5b: {  	v56 =	vimm.s32 $0xBA98FEDC;
	v0 =	vsel vm0, v0, v1  }
0x5c: {  	v3 =	vunpack.c.0.s8.s32 v55;
	v1 =	vunpack.c.0.s8.s32 v54;
	v2 =	vperm.xlane v0, v2  }
0x5d: {  	v57 =	vimm.s32 $0x32107654;
	v58 =	vunpack.c.l.s4.s8 v56  }
0x5e: {  	v59 =	vunpack.c.l.s4.s8 v57;
	v1 =	vcombine.low v3, v1;
	vm0 =	vlt.s32 v0, v2  }
0x5f: {  	v60 =	vimm.s32 $0xFEDCBA98;
	v0 =	vsel vm0, v0, v2  }
0x60: {  	v3 =	vunpack.c.0.s8.s32 v59;
	v2 =	vunpack.c.0.s8.s32 v58;
	v1 =	vperm.xlane v0, v1  }
0x61: {  	v61 =	vimm.s32 $0x76543210;
	v4 =	vunpack.c.l.s4.s8 v60  }
0x62: {  	v62 =	vunpack.c.l.s4.s8 v61;
	v2 =	vcombine.low v3, v2;
	vm0 =	vlt.s32 v0, v1  }
0x63: {  	v63 =	vunpack.c.0.s8.s32 v4;
	v0 =	vsel vm0, v0, v1  }
0x64: {  	v3 =	vunpack.c.0.s8.s32 v62;
	v2 =	vperm.xlane v0, v2  }
0x65: {  	v1 =	vand.u32 $0xF, v63  }
0x66: {  	v1 =	vcombine.low v1, v3;
	vm0 =	vlt.s32 v0, v2  }
0x67: {  	v0 =	vsel vm0, v0, v2  }
0x68: {  	v1 =	vperm.xlane v0, v1;
	_ =	sdelay $0x1  }
0x69: {  	vm0 =	vlt.s32 v0, v1  }
0x6a: {  	v0 =	vsel vm0, v0, v1  }
0x6b: {  	(v2sf) =	vpush v0, $0x0;
	_ =	sdelay $0xe  }
0x6c: {  	s6 =	spop (v2sf)  }
0x6d: {  	s6 =	sadd.s32 $0xFFF, s6  }
0x6e: {  	s8 =	simm.s32 $0x3;
	s7 =	sand.u32 $0xFFF, s6  }
0x6f: {  	s24 =	simm.s32 $0x4;
	_ =	swait.ge [sflag:s8], $0x800;
	p0 =	seq.s32 s7, $0xFFF  }
0x70: {  	[sflag:s8] =	ssyncset.done $0x0;
	s7 =	sshll.u32 @!p0 s7, $0xC;
	s6 =	sshll.u32 @!p0 s6, $0x7  }
0x71: {  	[sflag:s8] =	ssyncadd.s32 $0xFFFFF800;
	s7 =	sand.u32 @!p0 $0xFF8000, s7;
	s6 =	sand.u32 @!p0 $0x380, s6  }
0x72: {  	_ =	swait.ge [sflag:s24], $0x800;
	s6 =	sor.u32 @!p0 s7, s6  }
0x73: {  	[sflag:s24] =	ssyncset.done $0x0;
	s5 =	sor.u32 @!p0 s5, s6  }
0x74: {  	[sflag:s24] =	ssyncadd.s32 $0xFFFFF800;
	s7 =	simm.s32 @!p0 $0x1000;
	s5 =	sshrl.u32 @!p0 s5, $0x3  }
0x75: {  	s6 =	simm.s32 @!p0 $0x400;
	s2 =	sadd.s32 @!p0 s2, s5;
	s5 =	simm.s32 @!p0 $0x80  }
0x76: {  	[tilespmem:s7], [sflag:$0x5] =	stream.strided.gather @!p0 [hbm4b:s2+s5], $0x1000, s6, s5, $0x38;
	[tilespmem:$0x2000] =	vst v63  }
0x77: {  	s2 =	simm.s32 @!p0 $0x5  }
0x78: {  	_ =	swait.ge @!p0 [sflag:s2], $0x1000  }
0x79: {  	s25 =	simm.s32 $0x80;
	[sflag:s2] =	ssyncset.done @!p0 $0x0  }
0x7a: {  	s26 =	simm.s32 $0x200;
	s28 =	simm.s32 $0x1000;
	[sflag:s2] =	ssyncadd.s32 @!p0 $0xFFFFF000  }
0x7b: {  	[hbm4b:s3+s25] =	stream.strided.scatter [tilespmem:s28], [sflag:$0x1], $0x800, s26, s25, $0x38;
	[tilespmem:$0x2000] =	vst v63  }
0x7c: {  	s29 =	simm.s32 $0x1800;
	s30 =	simm.s32 $0x1  }
0x7d: {  	[hbm4b:s4+s25] =	stream.strided.scatter [tilespmem:s29], [sflag:$0x2], $0x800, s26, s25, $0x38;
	[tilespmem:$0x2000] =	vst v63  }
0x7e: {  	_ =	swait.ge [sflag:s30], $0x800  }
0x7f: {  	[sflag:s30] =	ssyncset.done $0x0  }
0x80: {  	s31 =	simm.s32 $0x2;
	[sflag:s30] =	ssyncadd.s32 $0xFFFFF800  }
0x81: {  	_ =	swait.ge [sflag:s31], $0x800  }
0x82: {  	[sflag:s31] =	ssyncset.done $0x0  }
0x83: {  	[sflag:s31] =	ssyncadd.s32 $0xFFFFF800  }
.LBB2_6:
0x84: {  	_ =	sfence.sel $0x180000  }
0x85: {  	[bflag:$0x0] =	sbarrier.arrive $0xFFFF  }
0x86: {  	p0 =	sne.s32 s1, $0x0;
	_ =	strace $0x90000047  }
0x87: {  	s0 =	sadd.s32 @!p0 $0x100000, s0;
	[bflag:$0x2] =	sbarrier.arrive $0xFFFF  }
0x88: {  	[sflag:s0] =	ssyncadd.tile.s32 @!p0 $0x1;
	_ =	shalt  }
.Lfunc_end2:
_tile_overlayer_lowered:
.L_overlay_start_2:
0x89: {  	(tag) =	ssettag $0x2  }
0x8a: {  	s0 =	rddreg [dreg:$0x0];
	s2 =	stileid.u32  }
0x8b: {  	s1 =	rddreg [dreg:$0x1];
	p0 =	sne.s32 s2, $0x0  }
0x8c: {  	s3 =	rddreg [dreg:$0x2];
	[bflag:$0x3] =	sbarrier.arrive $0xFFFF;
	s2 =	simm.s32 @!p0 $0x1C05  }
0x8d: {  	[timem:s3], [sflag:s2] =	dma.local @!p0 [hbm:s0], s1  }
0x8e: {  	s0 =	simm.s32 @!p0 $0x5  }
0x8f: {  	_ =	swait.ge @!p0 [sflag:s0], s1  }
0x90: {  	s1 =	ssub.s32 @!p0 $0x0, s1;
	[sflag:s0] =	ssyncset.done @!p0 $0x0  }
0x91: {  	[sflag:s0] =	ssyncadd.s32 @!p0 s1  }
0x92: {  	[bflag:$0x3] =	sbarrier.arrive $0xFFFF  }
0x93: {  	_ =	shalt  }

</sc_bundles>
